<compile_context>
chip_gen: v7x
topology: tpu7x:2x2x1
jax: 0.10.2.dev20260603
libtpu: 0.0.44.dev20260713+nightly
codegen_flags: <defaults>
</compile_context>

<pallas_src>
import functools

import jax
import jax.numpy as jnp
from jax import lax
from jax.experimental import pallas as pl
from jax.experimental.pallas import tpu as pltpu
from jax.experimental.pallas import tpu_sc as plsc

N = 10000
E = 320000
CH = 128

NC = 2
NS = 16
NW = NC * NS

CHUNK = 128
TOT_CHUNKS = E // CHUNK
N_PAD = 10112
RPT = N_PAD // NS

CPT_A = 78
CPT_REM = 4
CPT_B = 78
_C1_BASE = NS * CPT_A + CPT_REM

DEG_CPT = TOT_CHUNKS // NW
DEG_REM = TOT_CHUNKS % NW
DEG_MAX = (DEG_CPT + 1) * CHUNK

_mesh = plsc.VectorSubcoreMesh(core_axis_name="c", subcore_axis_name="s")
_sc_params = pltpu.CompilerParams(needs_layout_passes=False)


@functools.partial(
    pl.kernel,
    out_type=jax.ShapeDtypeStruct((NW, N_PAD), jnp.float32),
    mesh=_mesh,
    compiler_params=_sc_params,
    scratch_types=[
        pltpu.VMEM((DEG_MAX,), jnp.int32),
        pltpu.VMEM((N_PAD,), jnp.float32),
    ],
)
def _deg_kernel(ei_hbm, out_hbm, dstv, degv):
    wid = lax.axis_index("s") * NC + lax.axis_index("c")
    dgo = wid * DEG_CPT + jnp.minimum(wid, DEG_REM)
    dgn = DEG_CPT + (wid < DEG_REM).astype(jnp.int32)
    pltpu.sync_copy(ei_hbm.at[1, pl.ds(dgo * CHUNK, DEG_CPT * CHUNK)],
                    dstv.at[pl.ds(0, DEG_CPT * CHUNK)])

    @pl.when(wid < DEG_REM)
    def _():
        pltpu.sync_copy(ei_hbm.at[1, pl.ds((dgo + DEG_CPT) * CHUNK, CHUNK)],
                        dstv.at[pl.ds(DEG_CPT * CHUNK, CHUNK)])

    zeros16 = jnp.zeros((16,), jnp.float32)
    ones16 = jnp.ones((16,), jnp.float32)

    def zero_body(i, _):
        degv[pl.ds(i * 16, 16)] = zeros16
        return 0

    lax.fori_loop(0, N_PAD // 16, zero_body, 0)

    def hist_body(i, _):
        idx = dstv[pl.ds(i * 16, 16)]
        plsc.addupdate_scatter(degv, [idx], ones16)
        return 0

    lax.fori_loop(0, dgn * (CHUNK // 16), hist_body, 0)
    pltpu.sync_copy(degv, out_hbm.at[wid])


@functools.partial(
    pl.kernel,
    out_type=jax.ShapeDtypeStruct((NC, N_PAD, CH), jnp.float32),
    mesh=_mesh,
    compiler_params=_sc_params,
    scratch_types=[
        pltpu.VMEM((4, CHUNK), jnp.int32),
        pltpu.VMEM((4, CHUNK), jnp.int32),
        pltpu.VMEM((3, CHUNK, CH), jnp.float32),
        pltpu.VMEM_SHARED((N_PAD, CH), jnp.float32),
        pltpu.SemaphoreType.DMA,
        pltpu.SemaphoreType.DMA,
        pltpu.SemaphoreType.DMA,
    ],
)
def _scatter_kernel(y_hbm, ei_hbm, acc_hbm,
                    sidx, didx, gbuf, acc_sh, semI, semG, semS):
    c = lax.axis_index("c")
    s = lax.axis_index("s")
    off = jnp.where(c == 0, s * CPT_A + jnp.minimum(s, CPT_REM),
                    _C1_BASE + s * CPT_B)
    nchunks = jnp.where(c == 0, CPT_A + (s < CPT_REM).astype(jnp.int32),
                        CPT_B)

    pltpu.sync_copy(ei_hbm.at[0, pl.ds(off * CHUNK, CHUNK)], sidx.at[0])
    pltpu.sync_copy(ei_hbm.at[1, pl.ds(off * CHUNK, CHUNK)], didx.at[0])
    pltpu.async_copy(y_hbm.at[sidx.at[0]], gbuf.at[0], semG)
    pltpu.async_copy(ei_hbm.at[0, pl.ds((off + 1) * CHUNK, CHUNK)],
                     sidx.at[1], semI)
    pltpu.async_copy(ei_hbm.at[1, pl.ds((off + 1) * CHUNK, CHUNK)],
                     didx.at[1], semI)

    zeros16 = jnp.zeros((16,), jnp.float32)

    def zero_body(i, _):
        gbuf[2, i // (CH // 16), pl.ds((i % (CH // 16)) * 16, 16)] = zeros16
        return 0

    lax.fori_loop(0, CHUNK * CH // 16, zero_body, 0)

    row0 = s * RPT
    pltpu.sync_copy(gbuf.at[2], acc_sh.at[pl.ds(row0, CHUNK)])
    pltpu.sync_copy(gbuf.at[2], acc_sh.at[pl.ds(row0 + CHUNK, CHUNK)])
    pltpu.sync_copy(gbuf.at[2], acc_sh.at[pl.ds(row0 + 2 * CHUNK, CHUNK)])
    pltpu.sync_copy(gbuf.at[2], acc_sh.at[pl.ds(row0 + 3 * CHUNK, CHUNK)])
    pltpu.sync_copy(gbuf.at[2, pl.ds(0, RPT - 4 * CHUNK)],
                    acc_sh.at[pl.ds(row0 + 4 * CHUNK, RPT - 4 * CHUNK)])
    plsc.subcore_barrier()

    def body(j, _):
        g_cur = j % 3
        g_nxt = (j + 1) % 3
        i_cur = j % 4

        @pl.when(j >= 2)
        def _():
            pltpu.make_async_copy(gbuf.at[g_nxt],
                                  acc_sh.at[pl.ds(row0, CHUNK)],
                                  semS).wait()

        @pl.when(j + 1 < nchunks)
        def _():
            i_nxt = (j + 1) % 4
            pltpu.make_async_copy(
                ei_hbm.at[0, pl.ds((off + j + 1) * CHUNK, CHUNK)],
                sidx.at[i_nxt], semI).wait()
            pltpu.make_async_copy(
                ei_hbm.at[1, pl.ds((off + j + 1) * CHUNK, CHUNK)],
                didx.at[i_nxt], semI).wait()
            pltpu.async_copy(y_hbm.at[sidx.at[i_nxt]], gbuf.at[g_nxt], semG)

        @pl.when(j + 2 < nchunks)
        def _():
            i_2 = (j + 2) % 4
            pltpu.async_copy(ei_hbm.at[0, pl.ds((off + j + 2) * CHUNK, CHUNK)],
                             sidx.at[i_2], semI)
            pltpu.async_copy(ei_hbm.at[1, pl.ds((off + j + 2) * CHUNK, CHUNK)],
                             didx.at[i_2], semI)

        pltpu.make_async_copy(y_hbm.at[sidx.at[i_cur]], gbuf.at[g_cur],
                              semG).wait()
        pltpu.async_copy(gbuf.at[g_cur], acc_sh.at[didx.at[i_cur]], semS,
                         add=True)
        return 0

    lax.fori_loop(0, nchunks, body, 0)

    pltpu.make_async_copy(gbuf.at[0], acc_sh.at[pl.ds(row0, CHUNK)],
                          semS).wait()
    pltpu.make_async_copy(gbuf.at[0], acc_sh.at[pl.ds(row0, CHUNK)],
                          semS).wait()
    plsc.subcore_barrier()

    pltpu.sync_copy(acc_sh.at[pl.ds(row0, RPT)],
                    acc_hbm.at[c, pl.ds(row0, RPT)])


def _linear_body(x_ref, w_ref, deg_ref, y_ref):
    deg = jnp.sum(deg_ref[...], axis=0) + 1.0
    dinv = lax.rsqrt(deg)
    xw = jnp.dot(x_ref[...], w_ref[...], preferred_element_type=jnp.float32)
    y_ref[...] = dinv[:, None] * xw


def _combine_body(acc_ref, y_ref, deg_ref, b_ref, o_ref):
    deg = jnp.sum(deg_ref[...], axis=0) + 1.0
    dinv = lax.rsqrt(deg)
    total = acc_ref[0] + acc_ref[1] + y_ref[...]
    o_ref[...] = dinv[:, None] * total + b_ref[...]


_ROWS_BLK = 1024


def kernel(x, edge_index, W, b):
    ei = edge_index.astype(jnp.int32)

    deg_part = _deg_kernel(ei)

    grid = (pl.cdiv(N, _ROWS_BLK),)
    y = pl.pallas_call(
        _linear_body,
        grid=grid,
        in_specs=[
            pl.BlockSpec((_ROWS_BLK, CH), lambda i: (i, 0)),
            pl.BlockSpec((CH, CH), lambda i: (0, 0)),
            pl.BlockSpec((NW, _ROWS_BLK), lambda i: (0, i)),
        ],
        out_specs=pl.BlockSpec((_ROWS_BLK, CH), lambda i: (i, 0)),
        out_shape=jax.ShapeDtypeStruct((N, CH), jnp.float32),
    )(x, W, deg_part)

    acc = _scatter_kernel(y, ei)

    out = pl.pallas_call(
        _combine_body,
        grid=grid,
        in_specs=[
            pl.BlockSpec((NC, _ROWS_BLK, CH), lambda i: (0, i, 0)),
            pl.BlockSpec((_ROWS_BLK, CH), lambda i: (i, 0)),
            pl.BlockSpec((NW, _ROWS_BLK), lambda i: (0, i)),
            pl.BlockSpec((1, CH), lambda i: (0, 0)),
        ],
        out_specs=pl.BlockSpec((_ROWS_BLK, CH), lambda i: (i, 0)),
        out_shape=jax.ShapeDtypeStruct((N, CH), jnp.float32),
    )(acc, y, deg_part, b.reshape(1, CH))

    return out

# --- scband reference (transcript-rebuilt; emitter-appended) ---
"""Pipeline reference for scband-linear-encoder-6279242187152 (READ-ONLY COPY).

The authoritative reference and input builder live on the scoring server;
editing this copy changes nothing except your own understanding.
"""

import jax, jax.numpy as jnp
import numpy as np

N_NODES = 10000
N_EDGES = 320000
IN_CH = 128
OUT_CH = 128

def setup_inputs(seed: int = 0) -> dict:
    key = jax.random.key(seed)
    k1, k2, k3 = jax.random.split(key, 3)
    x = jax.random.normal(k1, (N_NODES, IN_CH), dtype=jnp.float32)
    edge_index = jax.random.randint(k2, (2, N_EDGES), 0, N_NODES, dtype=jnp.int64)
    # GCNConv linear weight (glorot) and bias (zeros), matching PyG defaults
    limit = float(np.sqrt(6.0 / (IN_CH + OUT_CH)))
    W = jax.random.uniform(k3, (IN_CH, OUT_CH), minval=-limit, maxval=limit, dtype=jnp.float32)
    b = jnp.zeros((OUT_CH,), dtype=jnp.float32)
    return {"x": x, "edge_index": edge_index, "W": W, "b": b}

def reference(x, edge_index, W, b):
    # Faithful GCNConv: add self loops, symmetric normalization, linear, aggregate, bias
    N = x.shape[0]
    loops = jnp.arange(N, dtype=edge_index.dtype)
    src = jnp.concatenate([edge_index[0], loops])
    dst = jnp.concatenate([edge_index[1], loops])
    # degree computed on destination (col) with unit edge weights, incl. self loops
    deg = jnp.zeros((N,), dtype=x.dtype).at[dst].add(jnp.ones_like(dst, dtype=x.dtype))
    deg_inv_sqrt = jnp.where(deg > 0, jax.lax.rsqrt(jnp.maximum(deg, 1e-12)), 0.0)
    norm = deg_inv_sqrt[src] * deg_inv_sqrt[dst]
    # linear transform first (PyG applies lin before propagate)
    xw = x @ W
    # gather messages from src, scale by norm, scatter-add into dst
    msg = xw[src] * norm[:, None]
    out = jnp.zeros((N, xw.shape[1]), dtype=x.dtype).at[dst].add(msg)
    return out + b

if __name__ == "__main__":
    import jax
    _d = setup_inputs()
    print(jax.jit(kernel)(*tuple(_d.values())))

</pallas_src>

<mosaic_0001>
#map = affine_map<(d0, d1) -> (0, 0)>
#map1 = affine_map<(d0, d1) -> (0, 0, 0)>
module attributes {stable_mosaic.version = 14 : i64} {
  func.func @_scatter_kernel(%arg0: i32, %arg1: i32, %arg2: memref<10000x128xf32, #tpu.memory_space<hbm>>, %arg3: memref<2x320000xi32, #tpu.memory_space<hbm>>, %arg4: memref<2x10112x128xf32, #tpu.memory_space<hbm>>, %arg5: memref<4x128xi32, #tpu.memory_space<vmem>>, %arg6: memref<4x128xi32, #tpu.memory_space<vmem>>, %arg7: memref<3x128x128xf32, #tpu.memory_space<vmem>>, %arg8: memref<10112x128xf32, #tpu.memory_space<vmem_shared>>, %arg9: memref<!tpu.dma_semaphore, #tpu.memory_space<semaphore_mem>>, %arg10: memref<!tpu.dma_semaphore, #tpu.memory_space<semaphore_mem>>, %arg11: memref<!tpu.dma_semaphore, #tpu.memory_space<semaphore_mem>>) attributes {dimension_semantics = [#tpu.dimension_semantics<core_parallel>, #tpu.dimension_semantics<subcore_parallel>], iteration_bounds = array<i64: 2, 16>, scalar_prefetch = 0 : i64, scratch_operands = 7 : i64, tpu.core_type = #tpu.core_type<sc_vector_subcore>, window_params = [{transform_indices = #map}, {transform_indices = #map}, {transform_indices = #map1}]} {
    %eq3A = arith.constant 0 : i32
    %eq3A_0 = arith.cmpi eq, %arg0, %eq3A : i32
    %mul3A = arith.constant 78 : i32
    %mul3A_1 = arith.muli %arg1, %mul3A : i32
    %min3A = arith.constant 4 : i32
    %min3A_2 = arith.minsi %arg1, %min3A : i32
    %add3A = arith.addi %mul3A_1, %min3A_2 : i32
    %mul3A_3 = arith.constant 78 : i32
    %mul3A_4 = arith.muli %arg1, %mul3A_3 : i32
    %add3A_5 = arith.constant 1252 : i32
    %add3A_6 = arith.addi %add3A_5, %mul3A_4 : i32
    %select_n3A = arith.select %eq3A_0, %add3A, %add3A_6 : i32
    %eq3A_7 = arith.constant 0 : i32
    %eq3A_8 = arith.cmpi eq, %arg0, %eq3A_7 : i32
    %lt3A = arith.constant 4 : i32
    %lt3A_9 = arith.cmpi slt, %arg1, %lt3A : i32
    %convert_element_type3A = arith.extui %lt3A_9 : i1 to i32
    %add3A_10 = arith.constant 78 : i32
    %add3A_11 = arith.addi %add3A_10, %convert_element_type3A : i32
    %jit3A = arith.constant 78 : i32
    %select_n3A_12 = arith.select %eq3A_8, %add3A_11, %jit3A : i32
    %mul3A_13 = arith.constant 128 : i32
    %mul3A_14 = arith.muli %select_n3A, %mul3A_13 : i32
    %run_scoped3A = arith.constant 0 : i32
    %run_scoped3A_15 = arith.constant 0 : i32
    "tpu.region"() ({
      %run_scoped3A_122 = tpu.sem_alloc : memref<!tpu.dma_semaphore, #tpu.memory_space<semaphore_mem>>
      %dma_start3A_123 = arith.constant 0 : i32
      %dma_start3A_124 = tpu.memref_slice %arg5[%run_scoped3A_15, %dma_start3A_123] : memref<4x128xi32, #tpu.memory_space<vmem>> -> memref<1x128xi32, #tpu.memory_space<vmem>>
      %dma_start3A_125 = tpu.memref_squeeze %dma_start3A_124 : memref<1x128xi32, #tpu.memory_space<vmem>> -> memref<128xi32, #tpu.memory_space<vmem>>
      %dma_start3A_126 = tpu.memref_slice %arg3[%run_scoped3A, %mul3A_14] : memref<2x320000xi32, #tpu.memory_space<hbm>> -> memref<1x128xi32, #tpu.memory_space<hbm>>
      %dma_start3A_127 = tpu.memref_squeeze %dma_start3A_126 : memref<1x128xi32, #tpu.memory_space<hbm>> -> memref<128xi32, #tpu.memory_space<hbm>>
      %dma_start3A_128 = arith.constant 0 : i32
      %dma_start3A_129 = tpu.memref_slice %arg5[%run_scoped3A_15, %dma_start3A_128] : memref<4x128xi32, #tpu.memory_space<vmem>> -> memref<1x128xi32, #tpu.memory_space<vmem>>
      %dma_start3A_130 = tpu.memref_squeeze %dma_start3A_129 : memref<1x128xi32, #tpu.memory_space<vmem>> -> memref<128xi32, #tpu.memory_space<vmem>>
      %dma_start3A_131 = tpu.memref_slice %arg3[%run_scoped3A, %mul3A_14] : memref<2x320000xi32, #tpu.memory_space<hbm>> -> memref<1x128xi32, #tpu.memory_space<hbm>>
      %dma_start3A_132 = tpu.memref_squeeze %dma_start3A_131 : memref<1x128xi32, #tpu.memory_space<hbm>> -> memref<128xi32, #tpu.memory_space<hbm>>
      tpu.enqueue_dma source(%dma_start3A_132 : memref<128xi32, #tpu.memory_space<hbm>>) target(%dma_start3A_130 : memref<128xi32, #tpu.memory_space<vmem>>) target_semaphore(%run_scoped3A_122 : memref<!tpu.dma_semaphore, #tpu.memory_space<semaphore_mem>>)
      %dma_wait3A_133 = arith.constant 0 : i32
      %dma_wait3A_134 = tpu.memref_slice %arg5[%run_scoped3A_15, %dma_wait3A_133] : memref<4x128xi32, #tpu.memory_space<vmem>> -> memref<1x128xi32, #tpu.memory_space<vmem>>
      %dma_wait3A_135 = tpu.memref_squeeze %dma_wait3A_134 : memref<1x128xi32, #tpu.memory_space<vmem>> -> memref<128xi32, #tpu.memory_space<vmem>>
      %dma_wait3A_136 = tpu.memref_slice %arg3[%run_scoped3A, %mul3A_14] : memref<2x320000xi32, #tpu.memory_space<hbm>> -> memref<1x128xi32, #tpu.memory_space<hbm>>
      %dma_wait3A_137 = tpu.memref_squeeze %dma_wait3A_136 : memref<1x128xi32, #tpu.memory_space<hbm>> -> memref<128xi32, #tpu.memory_space<hbm>>
      %dma_wait3A_138 = arith.constant 0 : i32
      %dma_wait3A_139 = tpu.memref_slice %arg5[%run_scoped3A_15, %dma_wait3A_138] : memref<4x128xi32, #tpu.memory_space<vmem>> -> memref<1x128xi32, #tpu.memory_space<vmem>>
      %dma_wait3A_140 = tpu.memref_squeeze %dma_wait3A_139 : memref<1x128xi32, #tpu.memory_space<vmem>> -> memref<128xi32, #tpu.memory_space<vmem>>
      %dma_wait3A_141 = tpu.memref_slice %arg3[%run_scoped3A, %mul3A_14] : memref<2x320000xi32, #tpu.memory_space<hbm>> -> memref<1x128xi32, #tpu.memory_space<hbm>>
      %dma_wait3A_142 = tpu.memref_squeeze %dma_wait3A_141 : memref<1x128xi32, #tpu.memory_space<hbm>> -> memref<128xi32, #tpu.memory_space<hbm>>
      tpu.wait_dma2 semaphore(%run_scoped3A_122 : memref<!tpu.dma_semaphore, #tpu.memory_space<semaphore_mem>>) src(%dma_wait3A_142 : memref<128xi32, #tpu.memory_space<hbm>>) dst(%dma_wait3A_140 : memref<128xi32, #tpu.memory_space<vmem>>)
      tpu.yield
    }) : () -> ()
    %mul3A_16 = arith.constant 128 : i32
    %mul3A_17 = arith.muli %select_n3A, %mul3A_16 : i32
    %run_scoped3A_18 = arith.constant 1 : i32
    %run_scoped3A_19 = arith.constant 0 : i32
    "tpu.region"() ({
      %run_scoped3A_122 = tpu.sem_alloc : memref<!tpu.dma_semaphore, #tpu.memory_space<semaphore_mem>>
      %dma_start3A_123 = arith.constant 0 : i32
      %dma_start3A_124 = tpu.memref_slice %arg6[%run_scoped3A_19, %dma_start3A_123] : memref<4x128xi32, #tpu.memory_space<vmem>> -> memref<1x128xi32, #tpu.memory_space<vmem>>
      %dma_start3A_125 = tpu.memref_squeeze %dma_start3A_124 : memref<1x128xi32, #tpu.memory_space<vmem>> -> memref<128xi32, #tpu.memory_space<vmem>>
      %dma_start3A_126 = tpu.memref_slice %arg3[%run_scoped3A_18, %mul3A_17] : memref<2x320000xi32, #tpu.memory_space<hbm>> -> memref<1x128xi32, #tpu.memory_space<hbm>>
      %dma_start3A_127 = tpu.memref_squeeze %dma_start3A_126 : memref<1x128xi32, #tpu.memory_space<hbm>> -> memref<128xi32, #tpu.memory_space<hbm>>
      %dma_start3A_128 = arith.constant 0 : i32
      %dma_start3A_129 = tpu.memref_slice %arg6[%run_scoped3A_19, %dma_start3A_128] : memref<4x128xi32, #tpu.memory_space<vmem>> -> memref<1x128xi32, #tpu.memory_space<vmem>>
      %dma_start3A_130 = tpu.memref_squeeze %dma_start3A_129 : memref<1x128xi32, #tpu.memory_space<vmem>> -> memref<128xi32, #tpu.memory_space<vmem>>
      %dma_start3A_131 = tpu.memref_slice %arg3[%run_scoped3A_18, %mul3A_17] : memref<2x320000xi32, #tpu.memory_space<hbm>> -> memref<1x128xi32, #tpu.memory_space<hbm>>
      %dma_start3A_132 = tpu.memref_squeeze %dma_start3A_131 : memref<1x128xi32, #tpu.memory_space<hbm>> -> memref<128xi32, #tpu.memory_space<hbm>>
      tpu.enqueue_dma source(%dma_start3A_132 : memref<128xi32, #tpu.memory_space<hbm>>) target(%dma_start3A_130 : memref<128xi32, #tpu.memory_space<vmem>>) target_semaphore(%run_scoped3A_122 : memref<!tpu.dma_semaphore, #tpu.memory_space<semaphore_mem>>)
      %dma_wait3A_133 = arith.constant 0 : i32
      %dma_wait3A_134 = tpu.memref_slice %arg6[%run_scoped3A_19, %dma_wait3A_133] : memref<4x128xi32, #tpu.memory_space<vmem>> -> memref<1x128xi32, #tpu.memory_space<vmem>>
      %dma_wait3A_135 = tpu.memref_squeeze %dma_wait3A_134 : memref<1x128xi32, #tpu.memory_space<vmem>> -> memref<128xi32, #tpu.memory_space<vmem>>
      %dma_wait3A_136 = tpu.memref_slice %arg3[%run_scoped3A_18, %mul3A_17] : memref<2x320000xi32, #tpu.memory_space<hbm>> -> memref<1x128xi32, #tpu.memory_space<hbm>>
      %dma_wait3A_137 = tpu.memref_squeeze %dma_wait3A_136 : memref<1x128xi32, #tpu.memory_space<hbm>> -> memref<128xi32, #tpu.memory_space<hbm>>
      %dma_wait3A_138 = arith.constant 0 : i32
      %dma_wait3A_139 = tpu.memref_slice %arg6[%run_scoped3A_19, %dma_wait3A_138] : memref<4x128xi32, #tpu.memory_space<vmem>> -> memref<1x128xi32, #tpu.memory_space<vmem>>
      %dma_wait3A_140 = tpu.memref_squeeze %dma_wait3A_139 : memref<1x128xi32, #tpu.memory_space<vmem>> -> memref<128xi32, #tpu.memory_space<vmem>>
      %dma_wait3A_141 = tpu.memref_slice %arg3[%run_scoped3A_18, %mul3A_17] : memref<2x320000xi32, #tpu.memory_space<hbm>> -> memref<1x128xi32, #tpu.memory_space<hbm>>
      %dma_wait3A_142 = tpu.memref_squeeze %dma_wait3A_141 : memref<1x128xi32, #tpu.memory_space<hbm>> -> memref<128xi32, #tpu.memory_space<hbm>>
      tpu.wait_dma2 semaphore(%run_scoped3A_122 : memref<!tpu.dma_semaphore, #tpu.memory_space<semaphore_mem>>) src(%dma_wait3A_142 : memref<128xi32, #tpu.memory_space<hbm>>) dst(%dma_wait3A_140 : memref<128xi32, #tpu.memory_space<vmem>>)
      tpu.yield
    }) : () -> ()
    %dma_start3A = arith.constant 0 : i32
    %dma_start3A_20 = arith.constant 0 : i32
    %dma_start3A_21 = arith.constant 0 : i32
    %dma_start3A_22 = arith.constant 0 : i32
    %dma_start3A_23 = tpu.memref_slice %arg7[%dma_start3A_20, %dma_start3A_21, %dma_start3A_22] : memref<3x128x128xf32, #tpu.memory_space<vmem>> -> memref<1x128x128xf32, #tpu.memory_space<vmem>>
    %dma_start3A_24 = tpu.memref_squeeze %dma_start3A_23 : memref<1x128x128xf32, #tpu.memory_space<vmem>> -> memref<128x128xf32, #tpu.memory_space<vmem>>
    %dma_start3A_25 = arith.constant 0 : i32
    %dma_start3A_26 = tpu.memref_slice %arg5[%dma_start3A, %dma_start3A_25] : memref<4x128xi32, #tpu.memory_space<vmem>> -> memref<1x128xi32, #tpu.memory_space<vmem>>
    %dma_start3A_27 = tpu.memref_squeeze %dma_start3A_26 : memref<1x128xi32, #tpu.memory_space<vmem>> -> memref<128xi32, #tpu.memory_space<vmem>>
    %dma_start3A_28 = arith.constant 0 : i32
    %dma_start3A_29 = arith.constant 0 : i32
    %dma_start3A_30 = tpu.memref_slice %arg2[%dma_start3A_28, %dma_start3A_29] : memref<10000x128xf32, #tpu.memory_space<hbm>> -> memref<10000x128xf32, #tpu.memory_space<hbm>>
    tpu.enqueue_indirect_dma source(%dma_start3A_30 : memref<10000x128xf32, #tpu.memory_space<hbm>>) target(%dma_start3A_24 : memref<128x128xf32, #tpu.memory_space<vmem>>) offsets(%dma_start3A_27 : memref<128xi32, #tpu.memory_space<vmem>>) semaphore(%arg10 : memref<!tpu.dma_semaphore, #tpu.memory_space<semaphore_mem>>)
    %add3A_31 = arith.constant 1 : i32
    %add3A_32 = arith.addi %select_n3A, %add3A_31 : i32
    %mul3A_33 = arith.constant 128 : i32
    %mul3A_34 = arith.muli %add3A_32, %mul3A_33 : i32
    %dma_start3A_35 = arith.constant 0 : i32
    %dma_start3A_36 = arith.constant 1 : i32
    %dma_start3A_37 = arith.constant 0 : i32
    %dma_start3A_38 = tpu.memref_slice %arg5[%dma_start3A_36, %dma_start3A_37] : memref<4x128xi32, #tpu.memory_space<vmem>> -> memref<1x128xi32, #tpu.memory_space<vmem>>
    %dma_start3A_39 = tpu.memref_squeeze %dma_start3A_38 : memref<1x128xi32, #tpu.memory_space<vmem>> -> memref<128xi32, #tpu.memory_space<vmem>>
    %dma_start3A_40 = tpu.memref_slice %arg3[%dma_start3A_35, %mul3A_34] : memref<2x320000xi32, #tpu.memory_space<hbm>> -> memref<1x128xi32, #tpu.memory_space<hbm>>
    %dma_start3A_41 = tpu.memref_squeeze %dma_start3A_40 : memref<1x128xi32, #tpu.memory_space<hbm>> -> memref<128xi32, #tpu.memory_space<hbm>>
    %dma_start3A_42 = arith.constant 0 : i32
    %dma_start3A_43 = tpu.memref_slice %arg5[%dma_start3A_36, %dma_start3A_42] : memref<4x128xi32, #tpu.memory_space<vmem>> -> memref<1x128xi32, #tpu.memory_space<vmem>>
    %dma_start3A_44 = tpu.memref_squeeze %dma_start3A_43 : memref<1x128xi32, #tpu.memory_space<vmem>> -> memref<128xi32, #tpu.memory_space<vmem>>
    %dma_start3A_45 = tpu.memref_slice %arg3[%dma_start3A_35, %mul3A_34] : memref<2x320000xi32, #tpu.memory_space<hbm>> -> memref<1x128xi32, #tpu.memory_space<hbm>>
    %dma_start3A_46 = tpu.memref_squeeze %dma_start3A_45 : memref<1x128xi32, #tpu.memory_space<hbm>> -> memref<128xi32, #tpu.memory_space<hbm>>
    tpu.enqueue_dma source(%dma_start3A_46 : memref<128xi32, #tpu.memory_space<hbm>>) target(%dma_start3A_44 : memref<128xi32, #tpu.memory_space<vmem>>) target_semaphore(%arg9 : memref<!tpu.dma_semaphore, #tpu.memory_space<semaphore_mem>>)
    %add3A_47 = arith.constant 1 : i32
    %add3A_48 = arith.addi %select_n3A, %add3A_47 : i32
    %mul3A_49 = arith.constant 128 : i32
    %mul3A_50 = arith.muli %add3A_48, %mul3A_49 : i32
    %dma_start3A_51 = arith.constant 1 : i32
    %dma_start3A_52 = arith.constant 1 : i32
    %dma_start3A_53 = arith.constant 0 : i32
    %dma_start3A_54 = tpu.memref_slice %arg6[%dma_start3A_52, %dma_start3A_53] : memref<4x128xi32, #tpu.memory_space<vmem>> -> memref<1x128xi32, #tpu.memory_space<vmem>>
    %dma_start3A_55 = tpu.memref_squeeze %dma_start3A_54 : memref<1x128xi32, #tpu.memory_space<vmem>> -> memref<128xi32, #tpu.memory_space<vmem>>
    %dma_start3A_56 = tpu.memref_slice %arg3[%dma_start3A_51, %mul3A_50] : memref<2x320000xi32, #tpu.memory_space<hbm>> -> memref<1x128xi32, #tpu.memory_space<hbm>>
    %dma_start3A_57 = tpu.memref_squeeze %dma_start3A_56 : memref<1x128xi32, #tpu.memory_space<hbm>> -> memref<128xi32, #tpu.memory_space<hbm>>
    %dma_start3A_58 = arith.constant 0 : i32
    %dma_start3A_59 = tpu.memref_slice %arg6[%dma_start3A_52, %dma_start3A_58] : memref<4x128xi32, #tpu.memory_space<vmem>> -> memref<1x128xi32, #tpu.memory_space<vmem>>
    %dma_start3A_60 = tpu.memref_squeeze %dma_start3A_59 : memref<1x128xi32, #tpu.memory_space<vmem>> -> memref<128xi32, #tpu.memory_space<vmem>>
    %dma_start3A_61 = tpu.memref_slice %arg3[%dma_start3A_51, %mul3A_50] : memref<2x320000xi32, #tpu.memory_space<hbm>> -> memref<1x128xi32, #tpu.memory_space<hbm>>
    %dma_start3A_62 = tpu.memref_squeeze %dma_start3A_61 : memref<1x128xi32, #tpu.memory_space<hbm>> -> memref<128xi32, #tpu.memory_space<hbm>>
    tpu.enqueue_dma source(%dma_start3A_62 : memref<128xi32, #tpu.memory_space<hbm>>) target(%dma_start3A_60 : memref<128xi32, #tpu.memory_space<vmem>>) target_semaphore(%arg9 : memref<!tpu.dma_semaphore, #tpu.memory_space<semaphore_mem>>)
    %broadcast_in_dim3A = arith.constant 0.000000e+00 : f32
    %broadcast_in_dim3A_63 = vector.broadcast %broadcast_in_dim3A : f32 to vector<16xf32>
    %scan3A = arith.constant 0 : i32
    %scan3A_64 = arith.constant 0 : i32
    %scan3A_65 = arith.constant 1024 : i32
    %scan3A_66 = arith.addi %scan3A_64, %scan3A_65 : i32
    %scan3A_67 = arith.constant 1 : i32
    %scan3A_68 = scf.for %scan3A_122 = %scan3A_64 to %scan3A_66 step %scan3A_67 iter_args(%scan3A_123 = %scan3A) -> (i32)  : i32 {
      %jit3A_124 = arith.constant 8 : i32
      %div3A = arith.divsi %scan3A_122, %jit3A_124 : i32
      %sign3A = arith.constant 0 : i32
      %sign3A_125 = arith.cmpi sgt, %scan3A_122, %sign3A : i32
      %sign3A_126 = arith.extui %sign3A_125 : i1 to i32
      %sign3A_127 = arith.constant 0 : i32
      %sign3A_128 = arith.cmpi slt, %scan3A_122, %sign3A_127 : i32
      %sign3A_129 = arith.extui %sign3A_128 : i1 to i32
      %sign3A_130 = arith.subi %sign3A_126, %sign3A_129 : i32
      %sign3A_131 = arith.constant 0 : i32
      %sign3A_132 = arith.cmpi sgt, %jit3A_124, %sign3A_131 : i32
      %sign3A_133 = arith.extui %sign3A_132 : i1 to i32
      %sign3A_134 = arith.constant 0 : i32
      %sign3A_135 = arith.cmpi slt, %jit3A_124, %sign3A_134 : i32
      %sign3A_136 = arith.extui %sign3A_135 : i1 to i32
      %sign3A_137 = arith.subi %sign3A_133, %sign3A_136 : i32
      %ne3A = arith.cmpi ne, %sign3A_130, %sign3A_137 : i32
      %rem3A = arith.remsi %scan3A_122, %jit3A_124 : i32
      %ne3A_138 = arith.constant 0 : i32
      %ne3A_139 = arith.cmpi ne, %rem3A, %ne3A_138 : i32
      %and3A = arith.andi %ne3A, %ne3A_139 : i1
      %sub3A = arith.constant 1 : i32
      %sub3A_140 = arith.subi %div3A, %sub3A : i32
      %select_n3A_141 = arith.select %and3A, %sub3A_140, %div3A : i32
      %jit3A_142 = arith.constant 8 : i32
      %eq3A_143 = arith.constant 0 : i32
      %eq3A_144 = arith.cmpi eq, %jit3A_142, %eq3A_143 : i32
      %jit3A_145 = arith.constant 1 : i32
      %select_n3A_146 = arith.select %eq3A_144, %jit3A_145, %jit3A_142 : i32
      %rem3A_147 = arith.remsi %scan3A_122, %select_n3A_146 : i32
      %ne3A_148 = arith.constant 0 : i32
      %ne3A_149 = arith.cmpi ne, %rem3A_147, %ne3A_148 : i32
      %lt3A_150 = arith.constant 0 : i32
      %lt3A_151 = arith.cmpi slt, %rem3A_147, %lt3A_150 : i32
      %lt3A_152 = arith.constant 0 : i32
      %lt3A_153 = arith.cmpi slt, %select_n3A_146, %lt3A_152 : i32
      %ne3A_154 = arith.xori %lt3A_151, %lt3A_153 : i1
      %and3A_155 = arith.andi %ne3A_154, %ne3A_149 : i1
      %add3A_156 = arith.addi %rem3A_147, %select_n3A_146 : i32
      %select_n3A_157 = arith.select %and3A_155, %add3A_156, %rem3A_147 : i32
      %mul3A_158 = arith.constant 16 : i32
      %mul3A_159 = arith.muli %select_n3A_157, %mul3A_158 : i32
      %swap3A = arith.constant 2 : i32
      %swap3A_160 = arith.index_cast %swap3A : i32 to index
      %swap3A_161 = arith.index_cast %select_n3A_141 : i32 to index
      %swap3A_162 = arith.index_cast %mul3A_159 : i32 to index
      %swap3A_163 = tpu.vector_load %arg7[%swap3A_160, %swap3A_161, %swap3A_162] {strides = array<i32>} : memref<3x128x128xf32, #tpu.memory_space<vmem>>, vector<16xf32>,
      tpu.vector_store %arg7[%swap3A_160, %swap3A_161, %swap3A_162], %broadcast_in_dim3A_63 {strides = array<i32>} : memref<3x128x128xf32, #tpu.memory_space<vmem>>, vector<16xf32>,
      %scan3A_164 = arith.constant 0 : i32
      scf.yield %scan3A_164 : i32
    }
    %scan3A_69 = arith.constant 1024 : i32
    %mul3A_70 = arith.constant 632 : i32
    %mul3A_71 = arith.muli %arg1, %mul3A_70 : i32
    %run_scoped3A_72 = arith.constant 2 : i32
    "tpu.region"() ({
      %run_scoped3A_122 = tpu.sem_alloc : memref<!tpu.dma_semaphore, #tpu.memory_space<semaphore_mem>>
      %dma_start3A_123 = arith.constant 0 : i32
      %dma_start3A_124 = arith.constant 0 : i32
      %dma_start3A_125 = tpu.memref_slice %arg7[%run_scoped3A_72, %dma_start3A_123, %dma_start3A_124] : memref<3x128x128xf32, #tpu.memory_space<vmem>> -> memref<1x128x128xf32, #tpu.memory_space<vmem>>
      %dma_start3A_126 = tpu.memref_squeeze %dma_start3A_125 : memref<1x128x128xf32, #tpu.memory_space<vmem>> -> memref<128x128xf32, #tpu.memory_space<vmem>>
      %dma_start3A_127 = arith.constant 0 : i32
      %dma_start3A_128 = tpu.memref_slice %arg8[%mul3A_71, %dma_start3A_127] : memref<10112x128xf32, #tpu.memory_space<vmem_shared>> -> memref<128x128xf32, #tpu.memory_space<vmem_shared>>
      %dma_start3A_129 = arith.constant 0 : i32
      %dma_start3A_130 = tpu.memref_slice %arg8[%mul3A_71, %dma_start3A_129] : memref<10112x128xf32, #tpu.memory_space<vmem_shared>> -> memref<128x128xf32, #tpu.memory_space<vmem_shared>>
      %dma_start3A_131 = arith.constant 0 : i32
      %dma_start3A_132 = arith.constant 0 : i32
      %dma_start3A_133 = tpu.memref_slice %arg7[%run_scoped3A_72, %dma_start3A_131, %dma_start3A_132] : memref<3x128x128xf32, #tpu.memory_space<vmem>> -> memref<1x128x128xf32, #tpu.memory_space<vmem>>
      %dma_start3A_134 = tpu.memref_squeeze %dma_start3A_133 : memref<1x128x128xf32, #tpu.memory_space<vmem>> -> memref<128x128xf32, #tpu.memory_space<vmem>>
      tpu.enqueue_dma source(%dma_start3A_134 : memref<128x128xf32, #tpu.memory_space<vmem>>) target(%dma_start3A_130 : memref<128x128xf32, #tpu.memory_space<vmem_shared>>) target_semaphore(%run_scoped3A_122 : memref<!tpu.dma_semaphore, #tpu.memory_space<semaphore_mem>>)
      %dma_wait3A_135 = arith.constant 0 : i32
      %dma_wait3A_136 = arith.constant 0 : i32
      %dma_wait3A_137 = tpu.memref_slice %arg7[%run_scoped3A_72, %dma_wait3A_135, %dma_wait3A_136] : memref<3x128x128xf32, #tpu.memory_space<vmem>> -> memref<1x128x128xf32, #tpu.memory_space<vmem>>
      %dma_wait3A_138 = tpu.memref_squeeze %dma_wait3A_137 : memref<1x128x128xf32, #tpu.memory_space<vmem>> -> memref<128x128xf32, #tpu.memory_space<vmem>>
      %dma_wait3A_139 = arith.constant 0 : i32
      %dma_wait3A_140 = tpu.memref_slice %arg8[%mul3A_71, %dma_wait3A_139] : memref<10112x128xf32, #tpu.memory_space<vmem_shared>> -> memref<128x128xf32, #tpu.memory_space<vmem_shared>>
      %dma_wait3A_141 = arith.constant 0 : i32
      %dma_wait3A_142 = tpu.memref_slice %arg8[%mul3A_71, %dma_wait3A_141] : memref<10112x128xf32, #tpu.memory_space<vmem_shared>> -> memref<128x128xf32, #tpu.memory_space<vmem_shared>>
      %dma_wait3A_143 = arith.constant 0 : i32
      %dma_wait3A_144 = arith.constant 0 : i32
      %dma_wait3A_145 = tpu.memref_slice %arg7[%run_scoped3A_72, %dma_wait3A_143, %dma_wait3A_144] : memref<3x128x128xf32, #tpu.memory_space<vmem>> -> memref<1x128x128xf32, #tpu.memory_space<vmem>>
      %dma_wait3A_146 = tpu.memref_squeeze %dma_wait3A_145 : memref<1x128x128xf32, #tpu.memory_space<vmem>> -> memref<128x128xf32, #tpu.memory_space<vmem>>
      tpu.wait_dma2 semaphore(%run_scoped3A_122 : memref<!tpu.dma_semaphore, #tpu.memory_space<semaphore_mem>>) src(%dma_wait3A_146 : memref<128x128xf32, #tpu.memory_space<vmem>>) dst(%dma_wait3A_142 : memref<128x128xf32, #tpu.memory_space<vmem_shared>>)
      tpu.yield
    }) : () -> ()
    %add3A_73 = arith.constant 128 : i32
    %add3A_74 = arith.addi %mul3A_71, %add3A_73 : i32
    %run_scoped3A_75 = arith.constant 2 : i32
    "tpu.region"() ({
      %run_scoped3A_122 = tpu.sem_alloc : memref<!tpu.dma_semaphore, #tpu.memory_space<semaphore_mem>>
      %dma_start3A_123 = arith.constant 0 : i32
      %dma_start3A_124 = arith.constant 0 : i32
      %dma_start3A_125 = tpu.memref_slice %arg7[%run_scoped3A_75, %dma_start3A_123, %dma_start3A_124] : memref<3x128x128xf32, #tpu.memory_space<vmem>> -> memref<1x128x128xf32, #tpu.memory_space<vmem>>
      %dma_start3A_126 = tpu.memref_squeeze %dma_start3A_125 : memref<1x128x128xf32, #tpu.memory_space<vmem>> -> memref<128x128xf32, #tpu.memory_space<vmem>>
      %dma_start3A_127 = arith.constant 0 : i32
      %dma_start3A_128 = tpu.memref_slice %arg8[%add3A_74, %dma_start3A_127] : memref<10112x128xf32, #tpu.memory_space<vmem_shared>> -> memref<128x128xf32, #tpu.memory_space<vmem_shared>>
      %dma_start3A_129 = arith.constant 0 : i32
      %dma_start3A_130 = tpu.memref_slice %arg8[%add3A_74, %dma_start3A_129] : memref<10112x128xf32, #tpu.memory_space<vmem_shared>> -> memref<128x128xf32, #tpu.memory_space<vmem_shared>>
      %dma_start3A_131 = arith.constant 0 : i32
      %dma_start3A_132 = arith.constant 0 : i32
      %dma_start3A_133 = tpu.memref_slice %arg7[%run_scoped3A_75, %dma_start3A_131, %dma_start3A_132] : memref<3x128x128xf32, #tpu.memory_space<vmem>> -> memref<1x128x128xf32, #tpu.memory_space<vmem>>
      %dma_start3A_134 = tpu.memref_squeeze %dma_start3A_133 : memref<1x128x128xf32, #tpu.memory_space<vmem>> -> memref<128x128xf32, #tpu.memory_space<vmem>>
      tpu.enqueue_dma source(%dma_start3A_134 : memref<128x128xf32, #tpu.memory_space<vmem>>) target(%dma_start3A_130 : memref<128x128xf32, #tpu.memory_space<vmem_shared>>) target_semaphore(%run_scoped3A_122 : memref<!tpu.dma_semaphore, #tpu.memory_space<semaphore_mem>>)
      %dma_wait3A_135 = arith.constant 0 : i32
      %dma_wait3A_136 = arith.constant 0 : i32
      %dma_wait3A_137 = tpu.memref_slice %arg7[%run_scoped3A_75, %dma_wait3A_135, %dma_wait3A_136] : memref<3x128x128xf32, #tpu.memory_space<vmem>> -> memref<1x128x128xf32, #tpu.memory_space<vmem>>
      %dma_wait3A_138 = tpu.memref_squeeze %dma_wait3A_137 : memref<1x128x128xf32, #tpu.memory_space<vmem>> -> memref<128x128xf32, #tpu.memory_space<vmem>>
      %dma_wait3A_139 = arith.constant 0 : i32
      %dma_wait3A_140 = tpu.memref_slice %arg8[%add3A_74, %dma_wait3A_139] : memref<10112x128xf32, #tpu.memory_space<vmem_shared>> -> memref<128x128xf32, #tpu.memory_space<vmem_shared>>
      %dma_wait3A_141 = arith.constant 0 : i32
      %dma_wait3A_142 = tpu.memref_slice %arg8[%add3A_74, %dma_wait3A_141] : memref<10112x128xf32, #tpu.memory_space<vmem_shared>> -> memref<128x128xf32, #tpu.memory_space<vmem_shared>>
      %dma_wait3A_143 = arith.constant 0 : i32
      %dma_wait3A_144 = arith.constant 0 : i32
      %dma_wait3A_145 = tpu.memref_slice %arg7[%run_scoped3A_75, %dma_wait3A_143, %dma_wait3A_144] : memref<3x128x128xf32, #tpu.memory_space<vmem>> -> memref<1x128x128xf32, #tpu.memory_space<vmem>>
      %dma_wait3A_146 = tpu.memref_squeeze %dma_wait3A_145 : memref<1x128x128xf32, #tpu.memory_space<vmem>> -> memref<128x128xf32, #tpu.memory_space<vmem>>
      tpu.wait_dma2 semaphore(%run_scoped3A_122 : memref<!tpu.dma_semaphore, #tpu.memory_space<semaphore_mem>>) src(%dma_wait3A_146 : memref<128x128xf32, #tpu.memory_space<vmem>>) dst(%dma_wait3A_142 : memref<128x128xf32, #tpu.memory_space<vmem_shared>>)
      tpu.yield
    }) : () -> ()
    %add3A_76 = arith.constant 256 : i32
    %add3A_77 = arith.addi %mul3A_71, %add3A_76 : i32
    %run_scoped3A_78 = arith.constant 2 : i32
    "tpu.region"() ({
      %run_scoped3A_122 = tpu.sem_alloc : memref<!tpu.dma_semaphore, #tpu.memory_space<semaphore_mem>>
      %dma_start3A_123 = arith.constant 0 : i32
      %dma_start3A_124 = arith.constant 0 : i32
      %dma_start3A_125 = tpu.memref_slice %arg7[%run_scoped3A_78, %dma_start3A_123, %dma_start3A_124] : memref<3x128x128xf32, #tpu.memory_space<vmem>> -> memref<1x128x128xf32, #tpu.memory_space<vmem>>
      %dma_start3A_126 = tpu.memref_squeeze %dma_start3A_125 : memref<1x128x128xf32, #tpu.memory_space<vmem>> -> memref<128x128xf32, #tpu.memory_space<vmem>>
      %dma_start3A_127 = arith.constant 0 : i32
      %dma_start3A_128 = tpu.memref_slice %arg8[%add3A_77, %dma_start3A_127] : memref<10112x128xf32, #tpu.memory_space<vmem_shared>> -> memref<128x128xf32, #tpu.memory_space<vmem_shared>>
      %dma_start3A_129 = arith.constant 0 : i32
      %dma_start3A_130 = tpu.memref_slice %arg8[%add3A_77, %dma_start3A_129] : memref<10112x128xf32, #tpu.memory_space<vmem_shared>> -> memref<128x128xf32, #tpu.memory_space<vmem_shared>>
      %dma_start3A_131 = arith.constant 0 : i32
      %dma_start3A_132 = arith.constant 0 : i32
      %dma_start3A_133 = tpu.memref_slice %arg7[%run_scoped3A_78, %dma_start3A_131, %dma_start3A_132] : memref<3x128x128xf32, #tpu.memory_space<vmem>> -> memref<1x128x128xf32, #tpu.memory_space<vmem>>
      %dma_start3A_134 = tpu.memref_squeeze %dma_start3A_133 : memref<1x128x128xf32, #tpu.memory_space<vmem>> -> memref<128x128xf32, #tpu.memory_space<vmem>>
      tpu.enqueue_dma source(%dma_start3A_134 : memref<128x128xf32, #tpu.memory_space<vmem>>) target(%dma_start3A_130 : memref<128x128xf32, #tpu.memory_space<vmem_shared>>) target_semaphore(%run_scoped3A_122 : memref<!tpu.dma_semaphore, #tpu.memory_space<semaphore_mem>>)
      %dma_wait3A_135 = arith.constant 0 : i32
      %dma_wait3A_136 = arith.constant 0 : i32
      %dma_wait3A_137 = tpu.memref_slice %arg7[%run_scoped3A_78, %dma_wait3A_135, %dma_wait3A_136] : memref<3x128x128xf32, #tpu.memory_space<vmem>> -> memref<1x128x128xf32, #tpu.memory_space<vmem>>
      %dma_wait3A_138 = tpu.memref_squeeze %dma_wait3A_137 : memref<1x128x128xf32, #tpu.memory_space<vmem>> -> memref<128x128xf32, #tpu.memory_space<vmem>>
      %dma_wait3A_139 = arith.constant 0 : i32
      %dma_wait3A_140 = tpu.memref_slice %arg8[%add3A_77, %dma_wait3A_139] : memref<10112x128xf32, #tpu.memory_space<vmem_shared>> -> memref<128x128xf32, #tpu.memory_space<vmem_shared>>
      %dma_wait3A_141 = arith.constant 0 : i32
      %dma_wait3A_142 = tpu.memref_slice %arg8[%add3A_77, %dma_wait3A_141] : memref<10112x128xf32, #tpu.memory_space<vmem_shared>> -> memref<128x128xf32, #tpu.memory_space<vmem_shared>>
      %dma_wait3A_143 = arith.constant 0 : i32
      %dma_wait3A_144 = arith.constant 0 : i32
      %dma_wait3A_145 = tpu.memref_slice %arg7[%run_scoped3A_78, %dma_wait3A_143, %dma_wait3A_144] : memref<3x128x128xf32, #tpu.memory_space<vmem>> -> memref<1x128x128xf32, #tpu.memory_space<vmem>>
      %dma_wait3A_146 = tpu.memref_squeeze %dma_wait3A_145 : memref<1x128x128xf32, #tpu.memory_space<vmem>> -> memref<128x128xf32, #tpu.memory_space<vmem>>
      tpu.wait_dma2 semaphore(%run_scoped3A_122 : memref<!tpu.dma_semaphore, #tpu.memory_space<semaphore_mem>>) src(%dma_wait3A_146 : memref<128x128xf32, #tpu.memory_space<vmem>>) dst(%dma_wait3A_142 : memref<128x128xf32, #tpu.memory_space<vmem_shared>>)
      tpu.yield
    }) : () -> ()
    %add3A_79 = arith.constant 384 : i32
    %add3A_80 = arith.addi %mul3A_71, %add3A_79 : i32
    %run_scoped3A_81 = arith.constant 2 : i32
    "tpu.region"() ({
      %run_scoped3A_122 = tpu.sem_alloc : memref<!tpu.dma_semaphore, #tpu.memory_space<semaphore_mem>>
      %dma_start3A_123 = arith.constant 0 : i32
      %dma_start3A_124 = arith.constant 0 : i32
      %dma_start3A_125 = tpu.memref_slice %arg7[%run_scoped3A_81, %dma_start3A_123, %dma_start3A_124] : memref<3x128x128xf32, #tpu.memory_space<vmem>> -> memref<1x128x128xf32, #tpu.memory_space<vmem>>
      %dma_start3A_126 = tpu.memref_squeeze %dma_start3A_125 : memref<1x128x128xf32, #tpu.memory_space<vmem>> -> memref<128x128xf32, #tpu.memory_space<vmem>>
      %dma_start3A_127 = arith.constant 0 : i32
      %dma_start3A_128 = tpu.memref_slice %arg8[%add3A_80, %dma_start3A_127] : memref<10112x128xf32, #tpu.memory_space<vmem_shared>> -> memref<128x128xf32, #tpu.memory_space<vmem_shared>>
      %dma_start3A_129 = arith.constant 0 : i32
      %dma_start3A_130 = tpu.memref_slice %arg8[%add3A_80, %dma_start3A_129] : memref<10112x128xf32, #tpu.memory_space<vmem_shared>> -> memref<128x128xf32, #tpu.memory_space<vmem_shared>>
      %dma_start3A_131 = arith.constant 0 : i32
      %dma_start3A_132 = arith.constant 0 : i32
      %dma_start3A_133 = tpu.memref_slice %arg7[%run_scoped3A_81, %dma_start3A_131, %dma_start3A_132] : memref<3x128x128xf32, #tpu.memory_space<vmem>> -> memref<1x128x128xf32, #tpu.memory_space<vmem>>
      %dma_start3A_134 = tpu.memref_squeeze %dma_start3A_133 : memref<1x128x128xf32, #tpu.memory_space<vmem>> -> memref<128x128xf32, #tpu.memory_space<vmem>>
      tpu.enqueue_dma source(%dma_start3A_134 : memref<128x128xf32, #tpu.memory_space<vmem>>) target(%dma_start3A_130 : memref<128x128xf32, #tpu.memory_space<vmem_shared>>) target_semaphore(%run_scoped3A_122 : memref<!tpu.dma_semaphore, #tpu.memory_space<semaphore_mem>>)
      %dma_wait3A_135 = arith.constant 0 : i32
      %dma_wait3A_136 = arith.constant 0 : i32
      %dma_wait3A_137 = tpu.memref_slice %arg7[%run_scoped3A_81, %dma_wait3A_135, %dma_wait3A_136] : memref<3x128x128xf32, #tpu.memory_space<vmem>> -> memref<1x128x128xf32, #tpu.memory_space<vmem>>
      %dma_wait3A_138 = tpu.memref_squeeze %dma_wait3A_137 : memref<1x128x128xf32, #tpu.memory_space<vmem>> -> memref<128x128xf32, #tpu.memory_space<vmem>>
      %dma_wait3A_139 = arith.constant 0 : i32
      %dma_wait3A_140 = tpu.memref_slice %arg8[%add3A_80, %dma_wait3A_139] : memref<10112x128xf32, #tpu.memory_space<vmem_shared>> -> memref<128x128xf32, #tpu.memory_space<vmem_shared>>
      %dma_wait3A_141 = arith.constant 0 : i32
      %dma_wait3A_142 = tpu.memref_slice %arg8[%add3A_80, %dma_wait3A_141] : memref<10112x128xf32, #tpu.memory_space<vmem_shared>> -> memref<128x128xf32, #tpu.memory_space<vmem_shared>>
      %dma_wait3A_143 = arith.constant 0 : i32
      %dma_wait3A_144 = arith.constant 0 : i32
      %dma_wait3A_145 = tpu.memref_slice %arg7[%run_scoped3A_81, %dma_wait3A_143, %dma_wait3A_144] : memref<3x128x128xf32, #tpu.memory_space<vmem>> -> memref<1x128x128xf32, #tpu.memory_space<vmem>>
      %dma_wait3A_146 = tpu.memref_squeeze %dma_wait3A_145 : memref<1x128x128xf32, #tpu.memory_space<vmem>> -> memref<128x128xf32, #tpu.memory_space<vmem>>
      tpu.wait_dma2 semaphore(%run_scoped3A_122 : memref<!tpu.dma_semaphore, #tpu.memory_space<semaphore_mem>>) src(%dma_wait3A_146 : memref<128x128xf32, #tpu.memory_space<vmem>>) dst(%dma_wait3A_142 : memref<128x128xf32, #tpu.memory_space<vmem_shared>>)
      tpu.yield
    }) : () -> ()
    %add3A_82 = arith.constant 512 : i32
    %add3A_83 = arith.addi %mul3A_71, %add3A_82 : i32
    %run_scoped3A_84 = arith.constant 2 : i32
    "tpu.region"() ({
      %run_scoped3A_122 = tpu.sem_alloc : memref<!tpu.dma_semaphore, #tpu.memory_space<semaphore_mem>>
      %dma_start3A_123 = arith.constant 0 : i32
      %dma_start3A_124 = arith.constant 0 : i32
      %dma_start3A_125 = tpu.memref_slice %arg7[%run_scoped3A_84, %dma_start3A_123, %dma_start3A_124] : memref<3x128x128xf32, #tpu.memory_space<vmem>> -> memref<1x120x128xf32, #tpu.memory_space<vmem>>
      %dma_start3A_126 = tpu.memref_squeeze %dma_start3A_125 : memref<1x120x128xf32, #tpu.memory_space<vmem>> -> memref<120x128xf32, #tpu.memory_space<vmem>>
      %dma_start3A_127 = arith.constant 0 : i32
      %dma_start3A_128 = tpu.memref_slice %arg8[%add3A_83, %dma_start3A_127] : memref<10112x128xf32, #tpu.memory_space<vmem_shared>> -> memref<120x128xf32, #tpu.memory_space<vmem_shared>>
      %dma_start3A_129 = arith.constant 0 : i32
      %dma_start3A_130 = tpu.memref_slice %arg8[%add3A_83, %dma_start3A_129] : memref<10112x128xf32, #tpu.memory_space<vmem_shared>> -> memref<120x128xf32, #tpu.memory_space<vmem_shared>>
      %dma_start3A_131 = arith.constant 0 : i32
      %dma_start3A_132 = arith.constant 0 : i32
      %dma_start3A_133 = tpu.memref_slice %arg7[%run_scoped3A_84, %dma_start3A_131, %dma_start3A_132] : memref<3x128x128xf32, #tpu.memory_space<vmem>> -> memref<1x120x128xf32, #tpu.memory_space<vmem>>
      %dma_start3A_134 = tpu.memref_squeeze %dma_start3A_133 : memref<1x120x128xf32, #tpu.memory_space<vmem>> -> memref<120x128xf32, #tpu.memory_space<vmem>>
      tpu.enqueue_dma source(%dma_start3A_134 : memref<120x128xf32, #tpu.memory_space<vmem>>) target(%dma_start3A_130 : memref<120x128xf32, #tpu.memory_space<vmem_shared>>) target_semaphore(%run_scoped3A_122 : memref<!tpu.dma_semaphore, #tpu.memory_space<semaphore_mem>>)
      %dma_wait3A_135 = arith.constant 0 : i32
      %dma_wait3A_136 = arith.constant 0 : i32
      %dma_wait3A_137 = tpu.memref_slice %arg7[%run_scoped3A_84, %dma_wait3A_135, %dma_wait3A_136] : memref<3x128x128xf32, #tpu.memory_space<vmem>> -> memref<1x120x128xf32, #tpu.memory_space<vmem>>
      %dma_wait3A_138 = tpu.memref_squeeze %dma_wait3A_137 : memref<1x120x128xf32, #tpu.memory_space<vmem>> -> memref<120x128xf32, #tpu.memory_space<vmem>>
      %dma_wait3A_139 = arith.constant 0 : i32
      %dma_wait3A_140 = tpu.memref_slice %arg8[%add3A_83, %dma_wait3A_139] : memref<10112x128xf32, #tpu.memory_space<vmem_shared>> -> memref<120x128xf32, #tpu.memory_space<vmem_shared>>
      %dma_wait3A_141 = arith.constant 0 : i32
      %dma_wait3A_142 = tpu.memref_slice %arg8[%add3A_83, %dma_wait3A_141] : memref<10112x128xf32, #tpu.memory_space<vmem_shared>> -> memref<120x128xf32, #tpu.memory_space<vmem_shared>>
      %dma_wait3A_143 = arith.constant 0 : i32
      %dma_wait3A_144 = arith.constant 0 : i32
      %dma_wait3A_145 = tpu.memref_slice %arg7[%run_scoped3A_84, %dma_wait3A_143, %dma_wait3A_144] : memref<3x128x128xf32, #tpu.memory_space<vmem>> -> memref<1x120x128xf32, #tpu.memory_space<vmem>>
      %dma_wait3A_146 = tpu.memref_squeeze %dma_wait3A_145 : memref<1x120x128xf32, #tpu.memory_space<vmem>> -> memref<120x128xf32, #tpu.memory_space<vmem>>
      tpu.wait_dma2 semaphore(%run_scoped3A_122 : memref<!tpu.dma_semaphore, #tpu.memory_space<semaphore_mem>>) src(%dma_wait3A_146 : memref<120x128xf32, #tpu.memory_space<vmem>>) dst(%dma_wait3A_142 : memref<120x128xf32, #tpu.memory_space<vmem_shared>>)
      tpu.yield
    }) : () -> ()
    %barrier3A = arith.constant 0 : index
    tpu.barrier barrier_id(%barrier3A)
    %while3A = arith.constant 0 : i32
    %while3A_85 = arith.constant 0 : i32
    %while3A_86 = arith.subi %select_n3A_12, %while3A : i32
    %while3A_87 = arith.addi %while3A, %while3A_86 : i32
    %while3A_88 = arith.constant 1 : i32
    %while3A_89 = arith.divsi %while3A_86, %while3A_88 : i32
    %while3A_90 = arith.muli %while3A_89, %while3A_88 : i32
    %while3A_91 = arith.addi %while3A, %while3A_90 : i32
    %while3A_92 = arith.constant 1 : i32
    %while3A_93 = scf.for %while3A_122 = %while3A to %while3A_91 step %while3A_92 iter_args(%while3A_123 = %while3A_85) -> (i32)  : i32 {
      %jit3A_124 = arith.constant 3 : i32
      %eq3A_125 = arith.constant 0 : i32
      %eq3A_126 = arith.cmpi eq, %jit3A_124, %eq3A_125 : i32
      %jit3A_127 = arith.constant 1 : i32
      %select_n3A_128 = arith.select %eq3A_126, %jit3A_127, %jit3A_124 : i32
      %rem3A = arith.remsi %while3A_122, %select_n3A_128 : i32
      %ne3A = arith.constant 0 : i32
      %ne3A_129 = arith.cmpi ne, %rem3A, %ne3A : i32
      %lt3A_130 = arith.constant 0 : i32
      %lt3A_131 = arith.cmpi slt, %rem3A, %lt3A_130 : i32
      %lt3A_132 = arith.constant 0 : i32
      %lt3A_133 = arith.cmpi slt, %select_n3A_128, %lt3A_132 : i32
      %ne3A_134 = arith.xori %lt3A_131, %lt3A_133 : i1
      %and3A = arith.andi %ne3A_134, %ne3A_129 : i1
      %add3A_135 = arith.addi %rem3A, %select_n3A_128 : i32
      %select_n3A_136 = arith.select %and3A, %add3A_135, %rem3A : i32
      %add3A_137 = arith.constant 1 : i32
      %add3A_138 = arith.addi %while3A_122, %add3A_137 : i32
      %jit3A_139 = arith.constant 3 : i32
      %eq3A_140 = arith.constant 0 : i32
      %eq3A_141 = arith.cmpi eq, %jit3A_139, %eq3A_140 : i32
      %jit3A_142 = arith.constant 1 : i32
      %select_n3A_143 = arith.select %eq3A_141, %jit3A_142, %jit3A_139 : i32
      %rem3A_144 = arith.remsi %add3A_138, %select_n3A_143 : i32
      %ne3A_145 = arith.constant 0 : i32
      %ne3A_146 = arith.cmpi ne, %rem3A_144, %ne3A_145 : i32
      %lt3A_147 = arith.constant 0 : i32
      %lt3A_148 = arith.cmpi slt, %rem3A_144, %lt3A_147 : i32
      %lt3A_149 = arith.constant 0 : i32
      %lt3A_150 = arith.cmpi slt, %select_n3A_143, %lt3A_149 : i32
      %ne3A_151 = arith.xori %lt3A_148, %lt3A_150 : i1
      %and3A_152 = arith.andi %ne3A_151, %ne3A_146 : i1
      %add3A_153 = arith.addi %rem3A_144, %select_n3A_143 : i32
      %select_n3A_154 = arith.select %and3A_152, %add3A_153, %rem3A_144 : i32
      %jit3A_155 = arith.constant 4 : i32
      %eq3A_156 = arith.constant 0 : i32
      %eq3A_157 = arith.cmpi eq, %jit3A_155, %eq3A_156 : i32
      %jit3A_158 = arith.constant 1 : i32
      %select_n3A_159 = arith.select %eq3A_157, %jit3A_158, %jit3A_155 : i32
      %rem3A_160 = arith.remsi %while3A_122, %select_n3A_159 : i32
      %ne3A_161 = arith.constant 0 : i32
      %ne3A_162 = arith.cmpi ne, %rem3A_160, %ne3A_161 : i32
      %lt3A_163 = arith.constant 0 : i32
      %lt3A_164 = arith.cmpi slt, %rem3A_160, %lt3A_163 : i32
      %lt3A_165 = arith.constant 0 : i32
      %lt3A_166 = arith.cmpi slt, %select_n3A_159, %lt3A_165 : i32
      %ne3A_167 = arith.xori %lt3A_164, %lt3A_166 : i1
      %and3A_168 = arith.andi %ne3A_167, %ne3A_162 : i1
      %add3A_169 = arith.addi %rem3A_160, %select_n3A_159 : i32
      %select_n3A_170 = arith.select %and3A_168, %add3A_169, %rem3A_160 : i32
      %ge3A = arith.constant 2 : i32
      %ge3A_171 = arith.cmpi sge, %while3A_122, %ge3A : i32
      %convert_element_type3A_172 = arith.extui %ge3A_171 : i1 to i32
      %cond3A = arith.constant 0 : i32
      %cond3A_173 = arith.cmpi ne, %convert_element_type3A_172, %cond3A : i32
      scf.if %cond3A_173 {
        %dma_wait3A_207 = arith.constant 0 : i32
        %dma_wait3A_208 = arith.constant 0 : i32
        %dma_wait3A_209 = tpu.memref_slice %arg7[%select_n3A_154, %dma_wait3A_207, %dma_wait3A_208] : memref<3x128x128xf32, #tpu.memory_space<vmem>> -> memref<1x128x128xf32, #tpu.memory_space<vmem>>
        %dma_wait3A_210 = tpu.memref_squeeze %dma_wait3A_209 : memref<1x128x128xf32, #tpu.memory_space<vmem>> -> memref<128x128xf32, #tpu.memory_space<vmem>>
        %dma_wait3A_211 = arith.constant 0 : i32
        %dma_wait3A_212 = tpu.memref_slice %arg8[%mul3A_71, %dma_wait3A_211] : memref<10112x128xf32, #tpu.memory_space<vmem_shared>> -> memref<128x128xf32, #tpu.memory_space<vmem_shared>>
        %dma_wait3A_213 = arith.constant 0 : i32
        %dma_wait3A_214 = tpu.memref_slice %arg8[%mul3A_71, %dma_wait3A_213] : memref<10112x128xf32, #tpu.memory_space<vmem_shared>> -> memref<128x128xf32, #tpu.memory_space<vmem_shared>>
        %dma_wait3A_215 = arith.constant 0 : i32
        %dma_wait3A_216 = arith.constant 0 : i32
        %dma_wait3A_217 = tpu.memref_slice %arg7[%select_n3A_154, %dma_wait3A_215, %dma_wait3A_216] : memref<3x128x128xf32, #tpu.memory_space<vmem>> -> memref<1x128x128xf32, #tpu.memory_space<vmem>>
        %dma_wait3A_218 = tpu.memref_squeeze %dma_wait3A_217 : memref<1x128x128xf32, #tpu.memory_space<vmem>> -> memref<128x128xf32, #tpu.memory_space<vmem>>
        tpu.wait_dma2 semaphore(%arg11 : memref<!tpu.dma_semaphore, #tpu.memory_space<semaphore_mem>>) src(%dma_wait3A_218 : memref<128x128xf32, #tpu.memory_space<vmem>>) dst(%dma_wait3A_214 : memref<128x128xf32, #tpu.memory_space<vmem_shared>>)
      } else {
      }
      %add3A_174 = arith.constant 1 : i32
      %add3A_175 = arith.addi %while3A_122, %add3A_174 : i32
      %lt3A_176 = arith.cmpi slt, %add3A_175, %select_n3A_12 : i32
      %convert_element_type3A_177 = arith.extui %lt3A_176 : i1 to i32
      %cond3A_178 = arith.constant 0 : i32
      %cond3A_179 = arith.cmpi ne, %convert_element_type3A_177, %cond3A_178 : i32
      scf.if %cond3A_179 {
        %add3A_207 = arith.constant 1 : i32
        %add3A_208 = arith.addi %while3A_122, %add3A_207 : i32
        %jit3A_209 = arith.constant 4 : i32
        %eq3A_210 = arith.constant 0 : i32
        %eq3A_211 = arith.cmpi eq, %jit3A_209, %eq3A_210 : i32
        %jit3A_212 = arith.constant 1 : i32
        %select_n3A_213 = arith.select %eq3A_211, %jit3A_212, %jit3A_209 : i32
        %rem3A_214 = arith.remsi %add3A_208, %select_n3A_213 : i32
        %ne3A_215 = arith.constant 0 : i32
        %ne3A_216 = arith.cmpi ne, %rem3A_214, %ne3A_215 : i32
        %lt3A_217 = arith.constant 0 : i32
        %lt3A_218 = arith.cmpi slt, %rem3A_214, %lt3A_217 : i32
        %lt3A_219 = arith.constant 0 : i32
        %lt3A_220 = arith.cmpi slt, %select_n3A_213, %lt3A_219 : i32
        %ne3A_221 = arith.xori %lt3A_218, %lt3A_220 : i1
        %and3A_222 = arith.andi %ne3A_221, %ne3A_216 : i1
        %add3A_223 = arith.addi %rem3A_214, %select_n3A_213 : i32
        %select_n3A_224 = arith.select %and3A_222, %add3A_223, %rem3A_214 : i32
        %add3A_225 = arith.addi %select_n3A, %while3A_122 : i32
        %add3A_226 = arith.constant 1 : i32
        %add3A_227 = arith.addi %add3A_225, %add3A_226 : i32
        %mul3A_228 = arith.constant 128 : i32
        %mul3A_229 = arith.muli %add3A_227, %mul3A_228 : i32
        %dma_wait3A_230 = arith.constant 0 : i32
        %dma_wait3A_231 = arith.constant 0 : i32
        %dma_wait3A_232 = tpu.memref_slice %arg5[%select_n3A_224, %dma_wait3A_231] : memref<4x128xi32, #tpu.memory_space<vmem>> -> memref<1x128xi32, #tpu.memory_space<vmem>>
        %dma_wait3A_233 = tpu.memref_squeeze %dma_wait3A_232 : memref<1x128xi32, #tpu.memory_space<vmem>> -> memref<128xi32, #tpu.memory_space<vmem>>
        %dma_wait3A_234 = tpu.memref_slice %arg3[%dma_wait3A_230, %mul3A_229] : memref<2x320000xi32, #tpu.memory_space<hbm>> -> memref<1x128xi32, #tpu.memory_space<hbm>>
        %dma_wait3A_235 = tpu.memref_squeeze %dma_wait3A_234 : memref<1x128xi32, #tpu.memory_space<hbm>> -> memref<128xi32, #tpu.memory_space<hbm>>
        %dma_wait3A_236 = arith.constant 0 : i32
        %dma_wait3A_237 = tpu.memref_slice %arg5[%select_n3A_224, %dma_wait3A_236] : memref<4x128xi32, #tpu.memory_space<vmem>> -> memref<1x128xi32, #tpu.memory_space<vmem>>
        %dma_wait3A_238 = tpu.memref_squeeze %dma_wait3A_237 : memref<1x128xi32, #tpu.memory_space<vmem>> -> memref<128xi32, #tpu.memory_space<vmem>>
        %dma_wait3A_239 = tpu.memref_slice %arg3[%dma_wait3A_230, %mul3A_229] : memref<2x320000xi32, #tpu.memory_space<hbm>> -> memref<1x128xi32, #tpu.memory_space<hbm>>
        %dma_wait3A_240 = tpu.memref_squeeze %dma_wait3A_239 : memref<1x128xi32, #tpu.memory_space<hbm>> -> memref<128xi32, #tpu.memory_space<hbm>>
        tpu.wait_dma2 semaphore(%arg9 : memref<!tpu.dma_semaphore, #tpu.memory_space<semaphore_mem>>) src(%dma_wait3A_240 : memref<128xi32, #tpu.memory_space<hbm>>) dst(%dma_wait3A_238 : memref<128xi32, #tpu.memory_space<vmem>>)
        %add3A_241 = arith.addi %select_n3A, %while3A_122 : i32
        %add3A_242 = arith.constant 1 : i32
        %add3A_243 = arith.addi %add3A_241, %add3A_242 : i32
        %mul3A_244 = arith.constant 128 : i32
        %mul3A_245 = arith.muli %add3A_243, %mul3A_244 : i32
        %dma_wait3A_246 = arith.constant 1 : i32
        %dma_wait3A_247 = arith.constant 0 : i32
        %dma_wait3A_248 = tpu.memref_slice %arg6[%select_n3A_224, %dma_wait3A_247] : memref<4x128xi32, #tpu.memory_space<vmem>> -> memref<1x128xi32, #tpu.memory_space<vmem>>
        %dma_wait3A_249 = tpu.memref_squeeze %dma_wait3A_248 : memref<1x128xi32, #tpu.memory_space<vmem>> -> memref<128xi32, #tpu.memory_space<vmem>>
        %dma_wait3A_250 = tpu.memref_slice %arg3[%dma_wait3A_246, %mul3A_245] : memref<2x320000xi32, #tpu.memory_space<hbm>> -> memref<1x128xi32, #tpu.memory_space<hbm>>
        %dma_wait3A_251 = tpu.memref_squeeze %dma_wait3A_250 : memref<1x128xi32, #tpu.memory_space<hbm>> -> memref<128xi32, #tpu.memory_space<hbm>>
        %dma_wait3A_252 = arith.constant 0 : i32
        %dma_wait3A_253 = tpu.memref_slice %arg6[%select_n3A_224, %dma_wait3A_252] : memref<4x128xi32, #tpu.memory_space<vmem>> -> memref<1x128xi32, #tpu.memory_space<vmem>>
        %dma_wait3A_254 = tpu.memref_squeeze %dma_wait3A_253 : memref<1x128xi32, #tpu.memory_space<vmem>> -> memref<128xi32, #tpu.memory_space<vmem>>
        %dma_wait3A_255 = tpu.memref_slice %arg3[%dma_wait3A_246, %mul3A_245] : memref<2x320000xi32, #tpu.memory_space<hbm>> -> memref<1x128xi32, #tpu.memory_space<hbm>>
        %dma_wait3A_256 = tpu.memref_squeeze %dma_wait3A_255 : memref<1x128xi32, #tpu.memory_space<hbm>> -> memref<128xi32, #tpu.memory_space<hbm>>
        tpu.wait_dma2 semaphore(%arg9 : memref<!tpu.dma_semaphore, #tpu.memory_space<semaphore_mem>>) src(%dma_wait3A_256 : memref<128xi32, #tpu.memory_space<hbm>>) dst(%dma_wait3A_254 : memref<128xi32, #tpu.memory_space<vmem>>)
        %dma_start3A_257 = arith.constant 0 : i32
        %dma_start3A_258 = arith.constant 0 : i32
        %dma_start3A_259 = tpu.memref_slice %arg7[%select_n3A_154, %dma_start3A_257, %dma_start3A_258] : memref<3x128x128xf32, #tpu.memory_space<vmem>> -> memref<1x128x128xf32, #tpu.memory_space<vmem>>
        %dma_start3A_260 = tpu.memref_squeeze %dma_start3A_259 : memref<1x128x128xf32, #tpu.memory_space<vmem>> -> memref<128x128xf32, #tpu.memory_space<vmem>>
        %dma_start3A_261 = arith.constant 0 : i32
        %dma_start3A_262 = tpu.memref_slice %arg5[%select_n3A_224, %dma_start3A_261] : memref<4x128xi32, #tpu.memory_space<vmem>> -> memref<1x128xi32, #tpu.memory_space<vmem>>
        %dma_start3A_263 = tpu.memref_squeeze %dma_start3A_262 : memref<1x128xi32, #tpu.memory_space<vmem>> -> memref<128xi32, #tpu.memory_space<vmem>>
        %dma_start3A_264 = arith.constant 0 : i32
        %dma_start3A_265 = arith.constant 0 : i32
        %dma_start3A_266 = tpu.memref_slice %arg2[%dma_start3A_264, %dma_start3A_265] : memref<10000x128xf32, #tpu.memory_space<hbm>> -> memref<10000x128xf32, #tpu.memory_space<hbm>>
        tpu.enqueue_indirect_dma source(%dma_start3A_266 : memref<10000x128xf32, #tpu.memory_space<hbm>>) target(%dma_start3A_260 : memref<128x128xf32, #tpu.memory_space<vmem>>) offsets(%dma_start3A_263 : memref<128xi32, #tpu.memory_space<vmem>>) semaphore(%arg10 : memref<!tpu.dma_semaphore, #tpu.memory_space<semaphore_mem>>)
      } else {
      }
      %add3A_180 = arith.constant 2 : i32
      %add3A_181 = arith.addi %while3A_122, %add3A_180 : i32
      %lt3A_182 = arith.cmpi slt, %add3A_181, %select_n3A_12 : i32
      %convert_element_type3A_183 = arith.extui %lt3A_182 : i1 to i32
      %cond3A_184 = arith.constant 0 : i32
      %cond3A_185 = arith.cmpi ne, %convert_element_type3A_183, %cond3A_184 : i32
      scf.if %cond3A_185 {
        %add3A_207 = arith.constant 2 : i32
        %add3A_208 = arith.addi %while3A_122, %add3A_207 : i32
        %jit3A_209 = arith.constant 4 : i32
        %eq3A_210 = arith.constant 0 : i32
        %eq3A_211 = arith.cmpi eq, %jit3A_209, %eq3A_210 : i32
        %jit3A_212 = arith.constant 1 : i32
        %select_n3A_213 = arith.select %eq3A_211, %jit3A_212, %jit3A_209 : i32
        %rem3A_214 = arith.remsi %add3A_208, %select_n3A_213 : i32
        %ne3A_215 = arith.constant 0 : i32
        %ne3A_216 = arith.cmpi ne, %rem3A_214, %ne3A_215 : i32
        %lt3A_217 = arith.constant 0 : i32
        %lt3A_218 = arith.cmpi slt, %rem3A_214, %lt3A_217 : i32
        %lt3A_219 = arith.constant 0 : i32
        %lt3A_220 = arith.cmpi slt, %select_n3A_213, %lt3A_219 : i32
        %ne3A_221 = arith.xori %lt3A_218, %lt3A_220 : i1
        %and3A_222 = arith.andi %ne3A_221, %ne3A_216 : i1
        %add3A_223 = arith.addi %rem3A_214, %select_n3A_213 : i32
        %select_n3A_224 = arith.select %and3A_222, %add3A_223, %rem3A_214 : i32
        %add3A_225 = arith.addi %select_n3A, %while3A_122 : i32
        %add3A_226 = arith.constant 2 : i32
        %add3A_227 = arith.addi %add3A_225, %add3A_226 : i32
        %mul3A_228 = arith.constant 128 : i32
        %mul3A_229 = arith.muli %add3A_227, %mul3A_228 : i32
        %dma_start3A_230 = arith.constant 0 : i32
        %dma_start3A_231 = arith.constant 0 : i32
        %dma_start3A_232 = tpu.memref_slice %arg5[%select_n3A_224, %dma_start3A_231] : memref<4x128xi32, #tpu.memory_space<vmem>> -> memref<1x128xi32, #tpu.memory_space<vmem>>
        %dma_start3A_233 = tpu.memref_squeeze %dma_start3A_232 : memref<1x128xi32, #tpu.memory_space<vmem>> -> memref<128xi32, #tpu.memory_space<vmem>>
        %dma_start3A_234 = tpu.memref_slice %arg3[%dma_start3A_230, %mul3A_229] : memref<2x320000xi32, #tpu.memory_space<hbm>> -> memref<1x128xi32, #tpu.memory_space<hbm>>
        %dma_start3A_235 = tpu.memref_squeeze %dma_start3A_234 : memref<1x128xi32, #tpu.memory_space<hbm>> -> memref<128xi32, #tpu.memory_space<hbm>>
        %dma_start3A_236 = arith.constant 0 : i32
        %dma_start3A_237 = tpu.memref_slice %arg5[%select_n3A_224, %dma_start3A_236] : memref<4x128xi32, #tpu.memory_space<vmem>> -> memref<1x128xi32, #tpu.memory_space<vmem>>
        %dma_start3A_238 = tpu.memref_squeeze %dma_start3A_237 : memref<1x128xi32, #tpu.memory_space<vmem>> -> memref<128xi32, #tpu.memory_space<vmem>>
        %dma_start3A_239 = tpu.memref_slice %arg3[%dma_start3A_230, %mul3A_229] : memref<2x320000xi32, #tpu.memory_space<hbm>> -> memref<1x128xi32, #tpu.memory_space<hbm>>
        %dma_start3A_240 = tpu.memref_squeeze %dma_start3A_239 : memref<1x128xi32, #tpu.memory_space<hbm>> -> memref<128xi32, #tpu.memory_space<hbm>>
        tpu.enqueue_dma source(%dma_start3A_240 : memref<128xi32, #tpu.memory_space<hbm>>) target(%dma_start3A_238 : memref<128xi32, #tpu.memory_space<vmem>>) target_semaphore(%arg9 : memref<!tpu.dma_semaphore, #tpu.memory_space<semaphore_mem>>)
        %add3A_241 = arith.addi %select_n3A, %while3A_122 : i32
        %add3A_242 = arith.constant 2 : i32
        %add3A_243 = arith.addi %add3A_241, %add3A_242 : i32
        %mul3A_244 = arith.constant 128 : i32
        %mul3A_245 = arith.muli %add3A_243, %mul3A_244 : i32
        %dma_start3A_246 = arith.constant 1 : i32
        %dma_start3A_247 = arith.constant 0 : i32
        %dma_start3A_248 = tpu.memref_slice %arg6[%select_n3A_224, %dma_start3A_247] : memref<4x128xi32, #tpu.memory_space<vmem>> -> memref<1x128xi32, #tpu.memory_space<vmem>>
        %dma_start3A_249 = tpu.memref_squeeze %dma_start3A_248 : memref<1x128xi32, #tpu.memory_space<vmem>> -> memref<128xi32, #tpu.memory_space<vmem>>
        %dma_start3A_250 = tpu.memref_slice %arg3[%dma_start3A_246, %mul3A_245] : memref<2x320000xi32, #tpu.memory_space<hbm>> -> memref<1x128xi32, #tpu.memory_space<hbm>>
        %dma_start3A_251 = tpu.memref_squeeze %dma_start3A_250 : memref<1x128xi32, #tpu.memory_space<hbm>> -> memref<128xi32, #tpu.memory_space<hbm>>
        %dma_start3A_252 = arith.constant 0 : i32
        %dma_start3A_253 = tpu.memref_slice %arg6[%select_n3A_224, %dma_start3A_252] : memref<4x128xi32, #tpu.memory_space<vmem>> -> memref<1x128xi32, #tpu.memory_space<vmem>>
        %dma_start3A_254 = tpu.memref_squeeze %dma_start3A_253 : memref<1x128xi32, #tpu.memory_space<vmem>> -> memref<128xi32, #tpu.memory_space<vmem>>
        %dma_start3A_255 = tpu.memref_slice %arg3[%dma_start3A_246, %mul3A_245] : memref<2x320000xi32, #tpu.memory_space<hbm>> -> memref<1x128xi32, #tpu.memory_space<hbm>>
        %dma_start3A_256 = tpu.memref_squeeze %dma_start3A_255 : memref<1x128xi32, #tpu.memory_space<hbm>> -> memref<128xi32, #tpu.memory_space<hbm>>
        tpu.enqueue_dma source(%dma_start3A_256 : memref<128xi32, #tpu.memory_space<hbm>>) target(%dma_start3A_254 : memref<128xi32, #tpu.memory_space<vmem>>) target_semaphore(%arg9 : memref<!tpu.dma_semaphore, #tpu.memory_space<semaphore_mem>>)
      } else {
      }
      %dma_wait3A_186 = arith.constant 0 : i32
      %dma_wait3A_187 = arith.constant 0 : i32
      %dma_wait3A_188 = tpu.memref_slice %arg7[%select_n3A_136, %dma_wait3A_186, %dma_wait3A_187] : memref<3x128x128xf32, #tpu.memory_space<vmem>> -> memref<1x128x128xf32, #tpu.memory_space<vmem>>
      %dma_wait3A_189 = tpu.memref_squeeze %dma_wait3A_188 : memref<1x128x128xf32, #tpu.memory_space<vmem>> -> memref<128x128xf32, #tpu.memory_space<vmem>>
      %dma_wait3A_190 = arith.constant 0 : i32
      %dma_wait3A_191 = tpu.memref_slice %arg5[%select_n3A_170, %dma_wait3A_190] : memref<4x128xi32, #tpu.memory_space<vmem>> -> memref<1x128xi32, #tpu.memory_space<vmem>>
      %dma_wait3A_192 = tpu.memref_squeeze %dma_wait3A_191 : memref<1x128xi32, #tpu.memory_space<vmem>> -> memref<128xi32, #tpu.memory_space<vmem>>
      %dma_wait3A_193 = arith.constant 0 : i32
      %dma_wait3A_194 = arith.constant 0 : i32
      %dma_wait3A_195 = tpu.memref_slice %arg2[%dma_wait3A_193, %dma_wait3A_194] : memref<10000x128xf32, #tpu.memory_space<hbm>> -> memref<10000x128xf32, #tpu.memory_space<hbm>>
      tpu.wait_indirect_dma semaphore(%arg10 : memref<!tpu.dma_semaphore, #tpu.memory_space<semaphore_mem>>) src(%dma_wait3A_195 : memref<10000x128xf32, #tpu.memory_space<hbm>>) dst(%dma_wait3A_189 : memref<128x128xf32, #tpu.memory_space<vmem>>)
      %dma_start3A_196 = arith.constant 0 : i32
      %dma_start3A_197 = arith.constant 0 : i32
      %dma_start3A_198 = tpu.memref_slice %arg7[%select_n3A_136, %dma_start3A_196, %dma_start3A_197] : memref<3x128x128xf32, #tpu.memory_space<vmem>> -> memref<1x128x128xf32, #tpu.memory_space<vmem>>
      %dma_start3A_199 = tpu.memref_squeeze %dma_start3A_198 : memref<1x128x128xf32, #tpu.memory_space<vmem>> -> memref<128x128xf32, #tpu.memory_space<vmem>>
      %dma_start3A_200 = arith.constant 0 : i32
      %dma_start3A_201 = tpu.memref_slice %arg6[%select_n3A_170, %dma_start3A_200] : memref<4x128xi32, #tpu.memory_space<vmem>> -> memref<1x128xi32, #tpu.memory_space<vmem>>
      %dma_start3A_202 = tpu.memref_squeeze %dma_start3A_201 : memref<1x128xi32, #tpu.memory_space<vmem>> -> memref<128xi32, #tpu.memory_space<vmem>>
      %dma_start3A_203 = arith.constant 0 : i32
      %dma_start3A_204 = arith.constant 0 : i32
      %dma_start3A_205 = tpu.memref_slice %arg8[%dma_start3A_203, %dma_start3A_204] : memref<10112x128xf32, #tpu.memory_space<vmem_shared>> -> memref<10112x128xf32, #tpu.memory_space<vmem_shared>>
      tpu.enqueue_indirect_dma source(%dma_start3A_199 : memref<128x128xf32, #tpu.memory_space<vmem>>) target(%dma_start3A_205 : memref<10112x128xf32, #tpu.memory_space<vmem_shared>>) offsets(%dma_start3A_202 : memref<128xi32, #tpu.memory_space<vmem>>) semaphore(%arg11 : memref<!tpu.dma_semaphore, #tpu.memory_space<semaphore_mem>>) {add = true}
      %while3A_206 = arith.constant 0 : i32
      scf.yield %while3A_206 : i32
    }
    %while3A_94 = arith.constant 1 : i32
    %while3A_95 = scf.for %while3A_122 = %while3A_91 to %while3A_87 step %while3A_94 iter_args(%while3A_123 = %while3A_93) -> (i32)  : i32 {
      %jit3A_124 = arith.constant 3 : i32
      %eq3A_125 = arith.constant 0 : i32
      %eq3A_126 = arith.cmpi eq, %jit3A_124, %eq3A_125 : i32
      %jit3A_127 = arith.constant 1 : i32
      %select_n3A_128 = arith.select %eq3A_126, %jit3A_127, %jit3A_124 : i32
      %rem3A = arith.remsi %while3A_122, %select_n3A_128 : i32
      %ne3A = arith.constant 0 : i32
      %ne3A_129 = arith.cmpi ne, %rem3A, %ne3A : i32
      %lt3A_130 = arith.constant 0 : i32
      %lt3A_131 = arith.cmpi slt, %rem3A, %lt3A_130 : i32
      %lt3A_132 = arith.constant 0 : i32
      %lt3A_133 = arith.cmpi slt, %select_n3A_128, %lt3A_132 : i32
      %ne3A_134 = arith.xori %lt3A_131, %lt3A_133 : i1
      %and3A = arith.andi %ne3A_134, %ne3A_129 : i1
      %add3A_135 = arith.addi %rem3A, %select_n3A_128 : i32
      %select_n3A_136 = arith.select %and3A, %add3A_135, %rem3A : i32
      %add3A_137 = arith.constant 1 : i32
      %add3A_138 = arith.addi %while3A_122, %add3A_137 : i32
      %jit3A_139 = arith.constant 3 : i32
      %eq3A_140 = arith.constant 0 : i32
      %eq3A_141 = arith.cmpi eq, %jit3A_139, %eq3A_140 : i32
      %jit3A_142 = arith.constant 1 : i32
      %select_n3A_143 = arith.select %eq3A_141, %jit3A_142, %jit3A_139 : i32
      %rem3A_144 = arith.remsi %add3A_138, %select_n3A_143 : i32
      %ne3A_145 = arith.constant 0 : i32
      %ne3A_146 = arith.cmpi ne, %rem3A_144, %ne3A_145 : i32
      %lt3A_147 = arith.constant 0 : i32
      %lt3A_148 = arith.cmpi slt, %rem3A_144, %lt3A_147 : i32
      %lt3A_149 = arith.constant 0 : i32
      %lt3A_150 = arith.cmpi slt, %select_n3A_143, %lt3A_149 : i32
      %ne3A_151 = arith.xori %lt3A_148, %lt3A_150 : i1
      %and3A_152 = arith.andi %ne3A_151, %ne3A_146 : i1
      %add3A_153 = arith.addi %rem3A_144, %select_n3A_143 : i32
      %select_n3A_154 = arith.select %and3A_152, %add3A_153, %rem3A_144 : i32
      %jit3A_155 = arith.constant 4 : i32
      %eq3A_156 = arith.constant 0 : i32
      %eq3A_157 = arith.cmpi eq, %jit3A_155, %eq3A_156 : i32
      %jit3A_158 = arith.constant 1 : i32
      %select_n3A_159 = arith.select %eq3A_157, %jit3A_158, %jit3A_155 : i32
      %rem3A_160 = arith.remsi %while3A_122, %select_n3A_159 : i32
      %ne3A_161 = arith.constant 0 : i32
      %ne3A_162 = arith.cmpi ne, %rem3A_160, %ne3A_161 : i32
      %lt3A_163 = arith.constant 0 : i32
      %lt3A_164 = arith.cmpi slt, %rem3A_160, %lt3A_163 : i32
      %lt3A_165 = arith.constant 0 : i32
      %lt3A_166 = arith.cmpi slt, %select_n3A_159, %lt3A_165 : i32
      %ne3A_167 = arith.xori %lt3A_164, %lt3A_166 : i1
      %and3A_168 = arith.andi %ne3A_167, %ne3A_162 : i1
      %add3A_169 = arith.addi %rem3A_160, %select_n3A_159 : i32
      %select_n3A_170 = arith.select %and3A_168, %add3A_169, %rem3A_160 : i32
      %ge3A = arith.constant 2 : i32
      %ge3A_171 = arith.cmpi sge, %while3A_122, %ge3A : i32
      %convert_element_type3A_172 = arith.extui %ge3A_171 : i1 to i32
      %cond3A = arith.constant 0 : i32
      %cond3A_173 = arith.cmpi ne, %convert_element_type3A_172, %cond3A : i32
      scf.if %cond3A_173 {
        %dma_wait3A_207 = arith.constant 0 : i32
        %dma_wait3A_208 = arith.constant 0 : i32
        %dma_wait3A_209 = tpu.memref_slice %arg7[%select_n3A_154, %dma_wait3A_207, %dma_wait3A_208] : memref<3x128x128xf32, #tpu.memory_space<vmem>> -> memref<1x128x128xf32, #tpu.memory_space<vmem>>
        %dma_wait3A_210 = tpu.memref_squeeze %dma_wait3A_209 : memref<1x128x128xf32, #tpu.memory_space<vmem>> -> memref<128x128xf32, #tpu.memory_space<vmem>>
        %dma_wait3A_211 = arith.constant 0 : i32
        %dma_wait3A_212 = tpu.memref_slice %arg8[%mul3A_71, %dma_wait3A_211] : memref<10112x128xf32, #tpu.memory_space<vmem_shared>> -> memref<128x128xf32, #tpu.memory_space<vmem_shared>>
        %dma_wait3A_213 = arith.constant 0 : i32
        %dma_wait3A_214 = tpu.memref_slice %arg8[%mul3A_71, %dma_wait3A_213] : memref<10112x128xf32, #tpu.memory_space<vmem_shared>> -> memref<128x128xf32, #tpu.memory_space<vmem_shared>>
        %dma_wait3A_215 = arith.constant 0 : i32
        %dma_wait3A_216 = arith.constant 0 : i32
        %dma_wait3A_217 = tpu.memref_slice %arg7[%select_n3A_154, %dma_wait3A_215, %dma_wait3A_216] : memref<3x128x128xf32, #tpu.memory_space<vmem>> -> memref<1x128x128xf32, #tpu.memory_space<vmem>>
        %dma_wait3A_218 = tpu.memref_squeeze %dma_wait3A_217 : memref<1x128x128xf32, #tpu.memory_space<vmem>> -> memref<128x128xf32, #tpu.memory_space<vmem>>
        tpu.wait_dma2 semaphore(%arg11 : memref<!tpu.dma_semaphore, #tpu.memory_space<semaphore_mem>>) src(%dma_wait3A_218 : memref<128x128xf32, #tpu.memory_space<vmem>>) dst(%dma_wait3A_214 : memref<128x128xf32, #tpu.memory_space<vmem_shared>>)
      } else {
      }
      %add3A_174 = arith.constant 1 : i32
      %add3A_175 = arith.addi %while3A_122, %add3A_174 : i32
      %lt3A_176 = arith.cmpi slt, %add3A_175, %select_n3A_12 : i32
      %convert_element_type3A_177 = arith.extui %lt3A_176 : i1 to i32
      %cond3A_178 = arith.constant 0 : i32
      %cond3A_179 = arith.cmpi ne, %convert_element_type3A_177, %cond3A_178 : i32
      scf.if %cond3A_179 {
        %add3A_207 = arith.constant 1 : i32
        %add3A_208 = arith.addi %while3A_122, %add3A_207 : i32
        %jit3A_209 = arith.constant 4 : i32
        %eq3A_210 = arith.constant 0 : i32
        %eq3A_211 = arith.cmpi eq, %jit3A_209, %eq3A_210 : i32
        %jit3A_212 = arith.constant 1 : i32
        %select_n3A_213 = arith.select %eq3A_211, %jit3A_212, %jit3A_209 : i32
        %rem3A_214 = arith.remsi %add3A_208, %select_n3A_213 : i32
        %ne3A_215 = arith.constant 0 : i32
        %ne3A_216 = arith.cmpi ne, %rem3A_214, %ne3A_215 : i32
        %lt3A_217 = arith.constant 0 : i32
        %lt3A_218 = arith.cmpi slt, %rem3A_214, %lt3A_217 : i32
        %lt3A_219 = arith.constant 0 : i32
        %lt3A_220 = arith.cmpi slt, %select_n3A_213, %lt3A_219 : i32
        %ne3A_221 = arith.xori %lt3A_218, %lt3A_220 : i1
        %and3A_222 = arith.andi %ne3A_221, %ne3A_216 : i1
        %add3A_223 = arith.addi %rem3A_214, %select_n3A_213 : i32
        %select_n3A_224 = arith.select %and3A_222, %add3A_223, %rem3A_214 : i32
        %add3A_225 = arith.addi %select_n3A, %while3A_122 : i32
        %add3A_226 = arith.constant 1 : i32
        %add3A_227 = arith.addi %add3A_225, %add3A_226 : i32
        %mul3A_228 = arith.constant 128 : i32
        %mul3A_229 = arith.muli %add3A_227, %mul3A_228 : i32
        %dma_wait3A_230 = arith.constant 0 : i32
        %dma_wait3A_231 = arith.constant 0 : i32
        %dma_wait3A_232 = tpu.memref_slice %arg5[%select_n3A_224, %dma_wait3A_231] : memref<4x128xi32, #tpu.memory_space<vmem>> -> memref<1x128xi32, #tpu.memory_space<vmem>>
        %dma_wait3A_233 = tpu.memref_squeeze %dma_wait3A_232 : memref<1x128xi32, #tpu.memory_space<vmem>> -> memref<128xi32, #tpu.memory_space<vmem>>
        %dma_wait3A_234 = tpu.memref_slice %arg3[%dma_wait3A_230, %mul3A_229] : memref<2x320000xi32, #tpu.memory_space<hbm>> -> memref<1x128xi32, #tpu.memory_space<hbm>>
        %dma_wait3A_235 = tpu.memref_squeeze %dma_wait3A_234 : memref<1x128xi32, #tpu.memory_space<hbm>> -> memref<128xi32, #tpu.memory_space<hbm>>
        %dma_wait3A_236 = arith.constant 0 : i32
        %dma_wait3A_237 = tpu.memref_slice %arg5[%select_n3A_224, %dma_wait3A_236] : memref<4x128xi32, #tpu.memory_space<vmem>> -> memref<1x128xi32, #tpu.memory_space<vmem>>
        %dma_wait3A_238 = tpu.memref_squeeze %dma_wait3A_237 : memref<1x128xi32, #tpu.memory_space<vmem>> -> memref<128xi32, #tpu.memory_space<vmem>>
        %dma_wait3A_239 = tpu.memref_slice %arg3[%dma_wait3A_230, %mul3A_229] : memref<2x320000xi32, #tpu.memory_space<hbm>> -> memref<1x128xi32, #tpu.memory_space<hbm>>
        %dma_wait3A_240 = tpu.memref_squeeze %dma_wait3A_239 : memref<1x128xi32, #tpu.memory_space<hbm>> -> memref<128xi32, #tpu.memory_space<hbm>>
        tpu.wait_dma2 semaphore(%arg9 : memref<!tpu.dma_semaphore, #tpu.memory_space<semaphore_mem>>) src(%dma_wait3A_240 : memref<128xi32, #tpu.memory_space<hbm>>) dst(%dma_wait3A_238 : memref<128xi32, #tpu.memory_space<vmem>>)
        %add3A_241 = arith.addi %select_n3A, %while3A_122 : i32
        %add3A_242 = arith.constant 1 : i32
        %add3A_243 = arith.addi %add3A_241, %add3A_242 : i32
        %mul3A_244 = arith.constant 128 : i32
        %mul3A_245 = arith.muli %add3A_243, %mul3A_244 : i32
        %dma_wait3A_246 = arith.constant 1 : i32
        %dma_wait3A_247 = arith.constant 0 : i32
        %dma_wait3A_248 = tpu.memref_slice %arg6[%select_n3A_224, %dma_wait3A_247] : memref<4x128xi32, #tpu.memory_space<vmem>> -> memref<1x128xi32, #tpu.memory_space<vmem>>
        %dma_wait3A_249 = tpu.memref_squeeze %dma_wait3A_248 : memref<1x128xi32, #tpu.memory_space<vmem>> -> memref<128xi32, #tpu.memory_space<vmem>>
        %dma_wait3A_250 = tpu.memref_slice %arg3[%dma_wait3A_246, %mul3A_245] : memref<2x320000xi32, #tpu.memory_space<hbm>> -> memref<1x128xi32, #tpu.memory_space<hbm>>
        %dma_wait3A_251 = tpu.memref_squeeze %dma_wait3A_250 : memref<1x128xi32, #tpu.memory_space<hbm>> -> memref<128xi32, #tpu.memory_space<hbm>>
        %dma_wait3A_252 = arith.constant 0 : i32
        %dma_wait3A_253 = tpu.memref_slice %arg6[%select_n3A_224, %dma_wait3A_252] : memref<4x128xi32, #tpu.memory_space<vmem>> -> memref<1x128xi32, #tpu.memory_space<vmem>>
        %dma_wait3A_254 = tpu.memref_squeeze %dma_wait3A_253 : memref<1x128xi32, #tpu.memory_space<vmem>> -> memref<128xi32, #tpu.memory_space<vmem>>
        %dma_wait3A_255 = tpu.memref_slice %arg3[%dma_wait3A_246, %mul3A_245] : memref<2x320000xi32, #tpu.memory_space<hbm>> -> memref<1x128xi32, #tpu.memory_space<hbm>>
        %dma_wait3A_256 = tpu.memref_squeeze %dma_wait3A_255 : memref<1x128xi32, #tpu.memory_space<hbm>> -> memref<128xi32, #tpu.memory_space<hbm>>
        tpu.wait_dma2 semaphore(%arg9 : memref<!tpu.dma_semaphore, #tpu.memory_space<semaphore_mem>>) src(%dma_wait3A_256 : memref<128xi32, #tpu.memory_space<hbm>>) dst(%dma_wait3A_254 : memref<128xi32, #tpu.memory_space<vmem>>)
        %dma_start3A_257 = arith.constant 0 : i32
        %dma_start3A_258 = arith.constant 0 : i32
        %dma_start3A_259 = tpu.memref_slice %arg7[%select_n3A_154, %dma_start3A_257, %dma_start3A_258] : memref<3x128x128xf32, #tpu.memory_space<vmem>> -> memref<1x128x128xf32, #tpu.memory_space<vmem>>
        %dma_start3A_260 = tpu.memref_squeeze %dma_start3A_259 : memref<1x128x128xf32, #tpu.memory_space<vmem>> -> memref<128x128xf32, #tpu.memory_space<vmem>>
        %dma_start3A_261 = arith.constant 0 : i32
        %dma_start3A_262 = tpu.memref_slice %arg5[%select_n3A_224, %dma_start3A_261] : memref<4x128xi32, #tpu.memory_space<vmem>> -> memref<1x128xi32, #tpu.memory_space<vmem>>
        %dma_start3A_263 = tpu.memref_squeeze %dma_start3A_262 : memref<1x128xi32, #tpu.memory_space<vmem>> -> memref<128xi32, #tpu.memory_space<vmem>>
        %dma_start3A_264 = arith.constant 0 : i32
        %dma_start3A_265 = arith.constant 0 : i32
        %dma_start3A_266 = tpu.memref_slice %arg2[%dma_start3A_264, %dma_start3A_265] : memref<10000x128xf32, #tpu.memory_space<hbm>> -> memref<10000x128xf32, #tpu.memory_space<hbm>>
        tpu.enqueue_indirect_dma source(%dma_start3A_266 : memref<10000x128xf32, #tpu.memory_space<hbm>>) target(%dma_start3A_260 : memref<128x128xf32, #tpu.memory_space<vmem>>) offsets(%dma_start3A_263 : memref<128xi32, #tpu.memory_space<vmem>>) semaphore(%arg10 : memref<!tpu.dma_semaphore, #tpu.memory_space<semaphore_mem>>)
      } else {
      }
      %add3A_180 = arith.constant 2 : i32
      %add3A_181 = arith.addi %while3A_122, %add3A_180 : i32
      %lt3A_182 = arith.cmpi slt, %add3A_181, %select_n3A_12 : i32
      %convert_element_type3A_183 = arith.extui %lt3A_182 : i1 to i32
      %cond3A_184 = arith.constant 0 : i32
      %cond3A_185 = arith.cmpi ne, %convert_element_type3A_183, %cond3A_184 : i32
      scf.if %cond3A_185 {
        %add3A_207 = arith.constant 2 : i32
        %add3A_208 = arith.addi %while3A_122, %add3A_207 : i32
        %jit3A_209 = arith.constant 4 : i32
        %eq3A_210 = arith.constant 0 : i32
        %eq3A_211 = arith.cmpi eq, %jit3A_209, %eq3A_210 : i32
        %jit3A_212 = arith.constant 1 : i32
        %select_n3A_213 = arith.select %eq3A_211, %jit3A_212, %jit3A_209 : i32
        %rem3A_214 = arith.remsi %add3A_208, %select_n3A_213 : i32
        %ne3A_215 = arith.constant 0 : i32
        %ne3A_216 = arith.cmpi ne, %rem3A_214, %ne3A_215 : i32
        %lt3A_217 = arith.constant 0 : i32
        %lt3A_218 = arith.cmpi slt, %rem3A_214, %lt3A_217 : i32
        %lt3A_219 = arith.constant 0 : i32
        %lt3A_220 = arith.cmpi slt, %select_n3A_213, %lt3A_219 : i32
        %ne3A_221 = arith.xori %lt3A_218, %lt3A_220 : i1
        %and3A_222 = arith.andi %ne3A_221, %ne3A_216 : i1
        %add3A_223 = arith.addi %rem3A_214, %select_n3A_213 : i32
        %select_n3A_224 = arith.select %and3A_222, %add3A_223, %rem3A_214 : i32
        %add3A_225 = arith.addi %select_n3A, %while3A_122 : i32
        %add3A_226 = arith.constant 2 : i32
        %add3A_227 = arith.addi %add3A_225, %add3A_226 : i32
        %mul3A_228 = arith.constant 128 : i32
        %mul3A_229 = arith.muli %add3A_227, %mul3A_228 : i32
        %dma_start3A_230 = arith.constant 0 : i32
        %dma_start3A_231 = arith.constant 0 : i32
        %dma_start3A_232 = tpu.memref_slice %arg5[%select_n3A_224, %dma_start3A_231] : memref<4x128xi32, #tpu.memory_space<vmem>> -> memref<1x128xi32, #tpu.memory_space<vmem>>
        %dma_start3A_233 = tpu.memref_squeeze %dma_start3A_232 : memref<1x128xi32, #tpu.memory_space<vmem>> -> memref<128xi32, #tpu.memory_space<vmem>>
        %dma_start3A_234 = tpu.memref_slice %arg3[%dma_start3A_230, %mul3A_229] : memref<2x320000xi32, #tpu.memory_space<hbm>> -> memref<1x128xi32, #tpu.memory_space<hbm>>
        %dma_start3A_235 = tpu.memref_squeeze %dma_start3A_234 : memref<1x128xi32, #tpu.memory_space<hbm>> -> memref<128xi32, #tpu.memory_space<hbm>>
        %dma_start3A_236 = arith.constant 0 : i32
        %dma_start3A_237 = tpu.memref_slice %arg5[%select_n3A_224, %dma_start3A_236] : memref<4x128xi32, #tpu.memory_space<vmem>> -> memref<1x128xi32, #tpu.memory_space<vmem>>
        %dma_start3A_238 = tpu.memref_squeeze %dma_start3A_237 : memref<1x128xi32, #tpu.memory_space<vmem>> -> memref<128xi32, #tpu.memory_space<vmem>>
        %dma_start3A_239 = tpu.memref_slice %arg3[%dma_start3A_230, %mul3A_229] : memref<2x320000xi32, #tpu.memory_space<hbm>> -> memref<1x128xi32, #tpu.memory_space<hbm>>
        %dma_start3A_240 = tpu.memref_squeeze %dma_start3A_239 : memref<1x128xi32, #tpu.memory_space<hbm>> -> memref<128xi32, #tpu.memory_space<hbm>>
        tpu.enqueue_dma source(%dma_start3A_240 : memref<128xi32, #tpu.memory_space<hbm>>) target(%dma_start3A_238 : memref<128xi32, #tpu.memory_space<vmem>>) target_semaphore(%arg9 : memref<!tpu.dma_semaphore, #tpu.memory_space<semaphore_mem>>)
        %add3A_241 = arith.addi %select_n3A, %while3A_122 : i32
        %add3A_242 = arith.constant 2 : i32
        %add3A_243 = arith.addi %add3A_241, %add3A_242 : i32
        %mul3A_244 = arith.constant 128 : i32
        %mul3A_245 = arith.muli %add3A_243, %mul3A_244 : i32
        %dma_start3A_246 = arith.constant 1 : i32
        %dma_start3A_247 = arith.constant 0 : i32
        %dma_start3A_248 = tpu.memref_slice %arg6[%select_n3A_224, %dma_start3A_247] : memref<4x128xi32, #tpu.memory_space<vmem>> -> memref<1x128xi32, #tpu.memory_space<vmem>>
        %dma_start3A_249 = tpu.memref_squeeze %dma_start3A_248 : memref<1x128xi32, #tpu.memory_space<vmem>> -> memref<128xi32, #tpu.memory_space<vmem>>
        %dma_start3A_250 = tpu.memref_slice %arg3[%dma_start3A_246, %mul3A_245] : memref<2x320000xi32, #tpu.memory_space<hbm>> -> memref<1x128xi32, #tpu.memory_space<hbm>>
        %dma_start3A_251 = tpu.memref_squeeze %dma_start3A_250 : memref<1x128xi32, #tpu.memory_space<hbm>> -> memref<128xi32, #tpu.memory_space<hbm>>
        %dma_start3A_252 = arith.constant 0 : i32
        %dma_start3A_253 = tpu.memref_slice %arg6[%select_n3A_224, %dma_start3A_252] : memref<4x128xi32, #tpu.memory_space<vmem>> -> memref<1x128xi32, #tpu.memory_space<vmem>>
        %dma_start3A_254 = tpu.memref_squeeze %dma_start3A_253 : memref<1x128xi32, #tpu.memory_space<vmem>> -> memref<128xi32, #tpu.memory_space<vmem>>
        %dma_start3A_255 = tpu.memref_slice %arg3[%dma_start3A_246, %mul3A_245] : memref<2x320000xi32, #tpu.memory_space<hbm>> -> memref<1x128xi32, #tpu.memory_space<hbm>>
        %dma_start3A_256 = tpu.memref_squeeze %dma_start3A_255 : memref<1x128xi32, #tpu.memory_space<hbm>> -> memref<128xi32, #tpu.memory_space<hbm>>
        tpu.enqueue_dma source(%dma_start3A_256 : memref<128xi32, #tpu.memory_space<hbm>>) target(%dma_start3A_254 : memref<128xi32, #tpu.memory_space<vmem>>) target_semaphore(%arg9 : memref<!tpu.dma_semaphore, #tpu.memory_space<semaphore_mem>>)
      } else {
      }
      %dma_wait3A_186 = arith.constant 0 : i32
      %dma_wait3A_187 = arith.constant 0 : i32
      %dma_wait3A_188 = tpu.memref_slice %arg7[%select_n3A_136, %dma_wait3A_186, %dma_wait3A_187] : memref<3x128x128xf32, #tpu.memory_space<vmem>> -> memref<1x128x128xf32, #tpu.memory_space<vmem>>
      %dma_wait3A_189 = tpu.memref_squeeze %dma_wait3A_188 : memref<1x128x128xf32, #tpu.memory_space<vmem>> -> memref<128x128xf32, #tpu.memory_space<vmem>>
      %dma_wait3A_190 = arith.constant 0 : i32
      %dma_wait3A_191 = tpu.memref_slice %arg5[%select_n3A_170, %dma_wait3A_190] : memref<4x128xi32, #tpu.memory_space<vmem>> -> memref<1x128xi32, #tpu.memory_space<vmem>>
      %dma_wait3A_192 = tpu.memref_squeeze %dma_wait3A_191 : memref<1x128xi32, #tpu.memory_space<vmem>> -> memref<128xi32, #tpu.memory_space<vmem>>
      %dma_wait3A_193 = arith.constant 0 : i32
      %dma_wait3A_194 = arith.constant 0 : i32
      %dma_wait3A_195 = tpu.memref_slice %arg2[%dma_wait3A_193, %dma_wait3A_194] : memref<10000x128xf32, #tpu.memory_space<hbm>> -> memref<10000x128xf32, #tpu.memory_space<hbm>>
      tpu.wait_indirect_dma semaphore(%arg10 : memref<!tpu.dma_semaphore, #tpu.memory_space<semaphore_mem>>) src(%dma_wait3A_195 : memref<10000x128xf32, #tpu.memory_space<hbm>>) dst(%dma_wait3A_189 : memref<128x128xf32, #tpu.memory_space<vmem>>)
      %dma_start3A_196 = arith.constant 0 : i32
      %dma_start3A_197 = arith.constant 0 : i32
      %dma_start3A_198 = tpu.memref_slice %arg7[%select_n3A_136, %dma_start3A_196, %dma_start3A_197] : memref<3x128x128xf32, #tpu.memory_space<vmem>> -> memref<1x128x128xf32, #tpu.memory_space<vmem>>
      %dma_start3A_199 = tpu.memref_squeeze %dma_start3A_198 : memref<1x128x128xf32, #tpu.memory_space<vmem>> -> memref<128x128xf32, #tpu.memory_space<vmem>>
      %dma_start3A_200 = arith.constant 0 : i32
      %dma_start3A_201 = tpu.memref_slice %arg6[%select_n3A_170, %dma_start3A_200] : memref<4x128xi32, #tpu.memory_space<vmem>> -> memref<1x128xi32, #tpu.memory_space<vmem>>
      %dma_start3A_202 = tpu.memref_squeeze %dma_start3A_201 : memref<1x128xi32, #tpu.memory_space<vmem>> -> memref<128xi32, #tpu.memory_space<vmem>>
      %dma_start3A_203 = arith.constant 0 : i32
      %dma_start3A_204 = arith.constant 0 : i32
      %dma_start3A_205 = tpu.memref_slice %arg8[%dma_start3A_203, %dma_start3A_204] : memref<10112x128xf32, #tpu.memory_space<vmem_shared>> -> memref<10112x128xf32, #tpu.memory_space<vmem_shared>>
      tpu.enqueue_indirect_dma source(%dma_start3A_199 : memref<128x128xf32, #tpu.memory_space<vmem>>) target(%dma_start3A_205 : memref<10112x128xf32, #tpu.memory_space<vmem_shared>>) offsets(%dma_start3A_202 : memref<128xi32, #tpu.memory_space<vmem>>) semaphore(%arg11 : memref<!tpu.dma_semaphore, #tpu.memory_space<semaphore_mem>>) {add = true}
      %while3A_206 = arith.constant 0 : i32
      scf.yield %while3A_206 : i32
    }
    %dma_wait3A = arith.constant 0 : i32
    %dma_wait3A_96 = arith.constant 0 : i32
    %dma_wait3A_97 = arith.constant 0 : i32
    %dma_wait3A_98 = tpu.memref_slice %arg7[%dma_wait3A, %dma_wait3A_96, %dma_wait3A_97] : memref<3x128x128xf32, #tpu.memory_space<vmem>> -> memref<1x128x128xf32, #tpu.memory_space<vmem>>
    %dma_wait3A_99 = tpu.memref_squeeze %dma_wait3A_98 : memref<1x128x128xf32, #tpu.memory_space<vmem>> -> memref<128x128xf32, #tpu.memory_space<vmem>>
    %dma_wait3A_100 = arith.constant 0 : i32
    %dma_wait3A_101 = tpu.memref_slice %arg8[%mul3A_71, %dma_wait3A_100] : memref<10112x128xf32, #tpu.memory_space<vmem_shared>> -> memref<128x128xf32, #tpu.memory_space<vmem_shared>>
    %dma_wait3A_102 = arith.constant 0 : i32
    %dma_wait3A_103 = tpu.memref_slice %arg8[%mul3A_71, %dma_wait3A_102] : memref<10112x128xf32, #tpu.memory_space<vmem_shared>> -> memref<128x128xf32, #tpu.memory_space<vmem_shared>>
    %dma_wait3A_104 = arith.constant 0 : i32
    %dma_wait3A_105 = arith.constant 0 : i32
    %dma_wait3A_106 = tpu.memref_slice %arg7[%dma_wait3A, %dma_wait3A_104, %dma_wait3A_105] : memref<3x128x128xf32, #tpu.memory_space<vmem>> -> memref<1x128x128xf32, #tpu.memory_space<vmem>>
    %dma_wait3A_107 = tpu.memref_squeeze %dma_wait3A_106 : memref<1x128x128xf32, #tpu.memory_space<vmem>> -> memref<128x128xf32, #tpu.memory_space<vmem>>
    tpu.wait_dma2 semaphore(%arg11 : memref<!tpu.dma_semaphore, #tpu.memory_space<semaphore_mem>>) src(%dma_wait3A_107 : memref<128x128xf32, #tpu.memory_space<vmem>>) dst(%dma_wait3A_103 : memref<128x128xf32, #tpu.memory_space<vmem_shared>>)
    %dma_wait3A_108 = arith.constant 0 : i32
    %dma_wait3A_109 = arith.constant 0 : i32
    %dma_wait3A_110 = arith.constant 0 : i32
    %dma_wait3A_111 = tpu.memref_slice %arg7[%dma_wait3A_108, %dma_wait3A_109, %dma_wait3A_110] : memref<3x128x128xf32, #tpu.memory_space<vmem>> -> memref<1x128x128xf32, #tpu.memory_space<vmem>>
    %dma_wait3A_112 = tpu.memref_squeeze %dma_wait3A_111 : memref<1x128x128xf32, #tpu.memory_space<vmem>> -> memref<128x128xf32, #tpu.memory_space<vmem>>
    %dma_wait3A_113 = arith.constant 0 : i32
    %dma_wait3A_114 = tpu.memref_slice %arg8[%mul3A_71, %dma_wait3A_113] : memref<10112x128xf32, #tpu.memory_space<vmem_shared>> -> memref<128x128xf32, #tpu.memory_space<vmem_shared>>
    %dma_wait3A_115 = arith.constant 0 : i32
    %dma_wait3A_116 = tpu.memref_slice %arg8[%mul3A_71, %dma_wait3A_115] : memref<10112x128xf32, #tpu.memory_space<vmem_shared>> -> memref<128x128xf32, #tpu.memory_space<vmem_shared>>
    %dma_wait3A_117 = arith.constant 0 : i32
    %dma_wait3A_118 = arith.constant 0 : i32
    %dma_wait3A_119 = tpu.memref_slice %arg7[%dma_wait3A_108, %dma_wait3A_117, %dma_wait3A_118] : memref<3x128x128xf32, #tpu.memory_space<vmem>> -> memref<1x128x128xf32, #tpu.memory_space<vmem>>
    %dma_wait3A_120 = tpu.memref_squeeze %dma_wait3A_119 : memref<1x128x128xf32, #tpu.memory_space<vmem>> -> memref<128x128xf32, #tpu.memory_space<vmem>>
    tpu.wait_dma2 semaphore(%arg11 : memref<!tpu.dma_semaphore, #tpu.memory_space<semaphore_mem>>) src(%dma_wait3A_120 : memref<128x128xf32, #tpu.memory_space<vmem>>) dst(%dma_wait3A_116 : memref<128x128xf32, #tpu.memory_space<vmem_shared>>)
    %barrier3A_121 = arith.constant 0 : index
    tpu.barrier barrier_id(%barrier3A_121)
    "tpu.region"() ({
      %run_scoped3A_122 = tpu.sem_alloc : memref<!tpu.dma_semaphore, #tpu.memory_space<semaphore_mem>>
      %dma_start3A_123 = arith.constant 0 : i32
      %dma_start3A_124 = tpu.memref_slice %arg4[%arg0, %mul3A_71, %dma_start3A_123] : memref<2x10112x128xf32, #tpu.memory_space<hbm>> -> memref<1x632x128xf32, #tpu.memory_space<hbm>>
      %dma_start3A_125 = tpu.memref_squeeze %dma_start3A_124 : memref<1x632x128xf32, #tpu.memory_space<hbm>> -> memref<632x128xf32, #tpu.memory_space<hbm>>
      %dma_start3A_126 = arith.constant 0 : i32
      %dma_start3A_127 = tpu.memref_slice %arg8[%mul3A_71, %dma_start3A_126] : memref<10112x128xf32, #tpu.memory_space<vmem_shared>> -> memref<632x128xf32, #tpu.memory_space<vmem_shared>>
      tpu.enqueue_dma source(%dma_start3A_127 : memref<632x128xf32, #tpu.memory_space<vmem_shared>>) target(%dma_start3A_125 : memref<632x128xf32, #tpu.memory_space<hbm>>) target_semaphore(%run_scoped3A_122 : memref<!tpu.dma_semaphore, #tpu.memory_space<semaphore_mem>>)
      %dma_wait3A_128 = arith.constant 0 : i32
      %dma_wait3A_129 = tpu.memref_slice %arg4[%arg0, %mul3A_71, %dma_wait3A_128] : memref<2x10112x128xf32, #tpu.memory_space<hbm>> -> memref<1x632x128xf32, #tpu.memory_space<hbm>>
      %dma_wait3A_130 = tpu.memref_squeeze %dma_wait3A_129 : memref<1x632x128xf32, #tpu.memory_space<hbm>> -> memref<632x128xf32, #tpu.memory_space<hbm>>
      %dma_wait3A_131 = arith.constant 0 : i32
      %dma_wait3A_132 = tpu.memref_slice %arg8[%mul3A_71, %dma_wait3A_131] : memref<10112x128xf32, #tpu.memory_space<vmem_shared>> -> memref<632x128xf32, #tpu.memory_space<vmem_shared>>
      tpu.wait_dma2 semaphore(%run_scoped3A_122 : memref<!tpu.dma_semaphore, #tpu.memory_space<semaphore_mem>>) src(%dma_wait3A_132 : memref<632x128xf32, #tpu.memory_space<vmem_shared>>) dst(%dma_wait3A_130 : memref<632x128xf32, #tpu.memory_space<hbm>>)
      tpu.yield
    }) : () -> ()
    return
  }
}

#map = affine_map<(d0, d1) -> (0, 0)>
module attributes {stable_mosaic.version = 14 : i64} {
  func.func @_deg_kernel(%arg0: i32, %arg1: i32, %arg2: memref<2x320000xi32, #tpu.memory_space<hbm>>, %arg3: memref<32x10112xf32, #tpu.memory_space<hbm>>, %arg4: memref<10112xi32, #tpu.memory_space<vmem>>, %arg5: memref<10112xf32, #tpu.memory_space<vmem>>) attributes {dimension_semantics = [#tpu.dimension_semantics<core_parallel>, #tpu.dimension_semantics<subcore_parallel>], iteration_bounds = array<i64: 2, 16>, scalar_prefetch = 0 : i64, scratch_operands = 2 : i64, tpu.core_type = #tpu.core_type<sc_vector_subcore>, window_params = [{transform_indices = #map}, {transform_indices = #map}]} {
    %mul3A = arith.constant 2 : i32
    %mul3A_0 = arith.muli %arg1, %mul3A : i32
    %add3A = arith.addi %mul3A_0, %arg0 : i32
    %mul3A_1 = arith.constant 78 : i32
    %mul3A_2 = arith.muli %add3A, %mul3A_1 : i32
    %min3A = arith.constant 4 : i32
    %min3A_3 = arith.minsi %add3A, %min3A : i32
    %add3A_4 = arith.addi %mul3A_2, %min3A_3 : i32
    %lt3A = arith.constant 4 : i32
    %lt3A_5 = arith.cmpi slt, %add3A, %lt3A : i32
    %convert_element_type3A = arith.extui %lt3A_5 : i1 to i32
    %add3A_6 = arith.constant 78 : i32
    %add3A_7 = arith.addi %add3A_6, %convert_element_type3A : i32
    %mul3A_8 = arith.constant 128 : i32
    %mul3A_9 = arith.muli %add3A_4, %mul3A_8 : i32
    %run_scoped3A = arith.constant 1 : i32
    "tpu.region"() ({
      %run_scoped3A_36 = tpu.sem_alloc : memref<!tpu.dma_semaphore, #tpu.memory_space<semaphore_mem>>
      %dma_start3A = arith.constant 0 : i32
      %dma_start3A_37 = tpu.memref_slice %arg4[%dma_start3A] : memref<10112xi32, #tpu.memory_space<vmem>> -> memref<9984xi32, #tpu.memory_space<vmem>>
      %dma_start3A_38 = tpu.memref_slice %arg2[%run_scoped3A, %mul3A_9] : memref<2x320000xi32, #tpu.memory_space<hbm>> -> memref<1x9984xi32, #tpu.memory_space<hbm>>
      %dma_start3A_39 = tpu.memref_squeeze %dma_start3A_38 : memref<1x9984xi32, #tpu.memory_space<hbm>> -> memref<9984xi32, #tpu.memory_space<hbm>>
      %dma_start3A_40 = arith.constant 0 : i32
      %dma_start3A_41 = tpu.memref_slice %arg4[%dma_start3A_40] : memref<10112xi32, #tpu.memory_space<vmem>> -> memref<9984xi32, #tpu.memory_space<vmem>>
      %dma_start3A_42 = tpu.memref_slice %arg2[%run_scoped3A, %mul3A_9] : memref<2x320000xi32, #tpu.memory_space<hbm>> -> memref<1x9984xi32, #tpu.memory_space<hbm>>
      %dma_start3A_43 = tpu.memref_squeeze %dma_start3A_42 : memref<1x9984xi32, #tpu.memory_space<hbm>> -> memref<9984xi32, #tpu.memory_space<hbm>>
      tpu.enqueue_dma source(%dma_start3A_43 : memref<9984xi32, #tpu.memory_space<hbm>>) target(%dma_start3A_41 : memref<9984xi32, #tpu.memory_space<vmem>>) target_semaphore(%run_scoped3A_36 : memref<!tpu.dma_semaphore, #tpu.memory_space<semaphore_mem>>)
      %dma_wait3A = arith.constant 0 : i32
      %dma_wait3A_44 = tpu.memref_slice %arg4[%dma_wait3A] : memref<10112xi32, #tpu.memory_space<vmem>> -> memref<9984xi32, #tpu.memory_space<vmem>>
      %dma_wait3A_45 = tpu.memref_slice %arg2[%run_scoped3A, %mul3A_9] : memref<2x320000xi32, #tpu.memory_space<hbm>> -> memref<1x9984xi32, #tpu.memory_space<hbm>>
      %dma_wait3A_46 = tpu.memref_squeeze %dma_wait3A_45 : memref<1x9984xi32, #tpu.memory_space<hbm>> -> memref<9984xi32, #tpu.memory_space<hbm>>
      %dma_wait3A_47 = arith.constant 0 : i32
      %dma_wait3A_48 = tpu.memref_slice %arg4[%dma_wait3A_47] : memref<10112xi32, #tpu.memory_space<vmem>> -> memref<9984xi32, #tpu.memory_space<vmem>>
      %dma_wait3A_49 = tpu.memref_slice %arg2[%run_scoped3A, %mul3A_9] : memref<2x320000xi32, #tpu.memory_space<hbm>> -> memref<1x9984xi32, #tpu.memory_space<hbm>>
      %dma_wait3A_50 = tpu.memref_squeeze %dma_wait3A_49 : memref<1x9984xi32, #tpu.memory_space<hbm>> -> memref<9984xi32, #tpu.memory_space<hbm>>
      tpu.wait_dma2 semaphore(%run_scoped3A_36 : memref<!tpu.dma_semaphore, #tpu.memory_space<semaphore_mem>>) src(%dma_wait3A_50 : memref<9984xi32, #tpu.memory_space<hbm>>) dst(%dma_wait3A_48 : memref<9984xi32, #tpu.memory_space<vmem>>)
      tpu.yield
    }) : () -> ()
    %lt3A_10 = arith.constant 4 : i32
    %lt3A_11 = arith.cmpi slt, %add3A, %lt3A_10 : i32
    %convert_element_type3A_12 = arith.extui %lt3A_11 : i1 to i32
    %cond3A = arith.constant 0 : i32
    %cond3A_13 = arith.cmpi ne, %convert_element_type3A_12, %cond3A : i32
    scf.if %cond3A_13 {
      %add3A_36 = arith.constant 78 : i32
      %add3A_37 = arith.addi %add3A_4, %add3A_36 : i32
      %mul3A_38 = arith.constant 128 : i32
      %mul3A_39 = arith.muli %add3A_37, %mul3A_38 : i32
      %run_scoped3A_40 = arith.constant 1 : i32
      "tpu.region"() ({
        %run_scoped3A_41 = tpu.sem_alloc : memref<!tpu.dma_semaphore, #tpu.memory_space<semaphore_mem>>
        %dma_start3A = arith.constant 9984 : i32
        %dma_start3A_42 = tpu.memref_slice %arg4[%dma_start3A] : memref<10112xi32, #tpu.memory_space<vmem>> -> memref<128xi32, #tpu.memory_space<vmem>>
        %dma_start3A_43 = tpu.memref_slice %arg2[%run_scoped3A_40, %mul3A_39] : memref<2x320000xi32, #tpu.memory_space<hbm>> -> memref<1x128xi32, #tpu.memory_space<hbm>>
        %dma_start3A_44 = tpu.memref_squeeze %dma_start3A_43 : memref<1x128xi32, #tpu.memory_space<hbm>> -> memref<128xi32, #tpu.memory_space<hbm>>
        %dma_start3A_45 = arith.constant 9984 : i32
        %dma_start3A_46 = tpu.memref_slice %arg4[%dma_start3A_45] : memref<10112xi32, #tpu.memory_space<vmem>> -> memref<128xi32, #tpu.memory_space<vmem>>
        %dma_start3A_47 = tpu.memref_slice %arg2[%run_scoped3A_40, %mul3A_39] : memref<2x320000xi32, #tpu.memory_space<hbm>> -> memref<1x128xi32, #tpu.memory_space<hbm>>
        %dma_start3A_48 = tpu.memref_squeeze %dma_start3A_47 : memref<1x128xi32, #tpu.memory_space<hbm>> -> memref<128xi32, #tpu.memory_space<hbm>>
        tpu.enqueue_dma source(%dma_start3A_48 : memref<128xi32, #tpu.memory_space<hbm>>) target(%dma_start3A_46 : memref<128xi32, #tpu.memory_space<vmem>>) target_semaphore(%run_scoped3A_41 : memref<!tpu.dma_semaphore, #tpu.memory_space<semaphore_mem>>)
        %dma_wait3A = arith.constant 9984 : i32
        %dma_wait3A_49 = tpu.memref_slice %arg4[%dma_wait3A] : memref<10112xi32, #tpu.memory_space<vmem>> -> memref<128xi32, #tpu.memory_space<vmem>>
        %dma_wait3A_50 = tpu.memref_slice %arg2[%run_scoped3A_40, %mul3A_39] : memref<2x320000xi32, #tpu.memory_space<hbm>> -> memref<1x128xi32, #tpu.memory_space<hbm>>
        %dma_wait3A_51 = tpu.memref_squeeze %dma_wait3A_50 : memref<1x128xi32, #tpu.memory_space<hbm>> -> memref<128xi32, #tpu.memory_space<hbm>>
        %dma_wait3A_52 = arith.constant 9984 : i32
        %dma_wait3A_53 = tpu.memref_slice %arg4[%dma_wait3A_52] : memref<10112xi32, #tpu.memory_space<vmem>> -> memref<128xi32, #tpu.memory_space<vmem>>
        %dma_wait3A_54 = tpu.memref_slice %arg2[%run_scoped3A_40, %mul3A_39] : memref<2x320000xi32, #tpu.memory_space<hbm>> -> memref<1x128xi32, #tpu.memory_space<hbm>>
        %dma_wait3A_55 = tpu.memref_squeeze %dma_wait3A_54 : memref<1x128xi32, #tpu.memory_space<hbm>> -> memref<128xi32, #tpu.memory_space<hbm>>
        tpu.wait_dma2 semaphore(%run_scoped3A_41 : memref<!tpu.dma_semaphore, #tpu.memory_space<semaphore_mem>>) src(%dma_wait3A_55 : memref<128xi32, #tpu.memory_space<hbm>>) dst(%dma_wait3A_53 : memref<128xi32, #tpu.memory_space<vmem>>)
        tpu.yield
      }) : () -> ()
    } else {
    }
    %broadcast_in_dim3A = arith.constant 0.000000e+00 : f32
    %broadcast_in_dim3A_14 = vector.broadcast %broadcast_in_dim3A : f32 to vector<16xf32>
    %broadcast_in_dim3A_15 = arith.constant 1.000000e+00 : f32
    %broadcast_in_dim3A_16 = vector.broadcast %broadcast_in_dim3A_15 : f32 to vector<16xf32>
    %scan3A = arith.constant 0 : i32
    %scan3A_17 = arith.constant 0 : i32
    %scan3A_18 = arith.constant 632 : i32
    %scan3A_19 = arith.addi %scan3A_17, %scan3A_18 : i32
    %scan3A_20 = arith.constant 1 : i32
    %scan3A_21 = scf.for %scan3A_36 = %scan3A_17 to %scan3A_19 step %scan3A_20 iter_args(%scan3A_37 = %scan3A) -> (i32)  : i32 {
      %mul3A_38 = arith.constant 16 : i32
      %mul3A_39 = arith.muli %scan3A_36, %mul3A_38 : i32
      %swap3A = arith.index_cast %mul3A_39 : i32 to index
      %swap3A_40 = tpu.vector_load %arg5[%swap3A] {strides = array<i32>} : memref<10112xf32, #tpu.memory_space<vmem>>, vector<16xf32>,
      tpu.vector_store %arg5[%swap3A], %broadcast_in_dim3A_14 {strides = array<i32>} : memref<10112xf32, #tpu.memory_space<vmem>>, vector<16xf32>,
      %scan3A_41 = arith.constant 0 : i32
      scf.yield %scan3A_41 : i32
    }
    %scan3A_22 = arith.constant 632 : i32
    %mul3A_23 = arith.constant 8 : i32
    %mul3A_24 = arith.muli %add3A_7, %mul3A_23 : i32
    %while3A = arith.constant 0 : i32
    %while3A_25 = arith.constant 0 : i32
    %while3A_26 = arith.subi %mul3A_24, %while3A : i32
    %while3A_27 = arith.addi %while3A, %while3A_26 : i32
    %while3A_28 = arith.constant 1 : i32
    %while3A_29 = arith.divsi %while3A_26, %while3A_28 : i32
    %while3A_30 = arith.muli %while3A_29, %while3A_28 : i32
    %while3A_31 = arith.addi %while3A, %while3A_30 : i32
    %while3A_32 = arith.constant 1 : i32
    %while3A_33 = scf.for %while3A_36 = %while3A to %while3A_31 step %while3A_32 iter_args(%while3A_37 = %while3A_25) -> (i32)  : i32 {
      %mul3A_38 = arith.constant 16 : i32
      %mul3A_39 = arith.muli %while3A_36, %mul3A_38 : i32
      %get3A = arith.index_cast %mul3A_39 : i32 to index
      %get3A_40 = tpu.vector_load %arg4[%get3A] {strides = array<i32>} : memref<10112xi32, #tpu.memory_space<vmem>>, vector<16xi32>,
      tpu.vector_store_idx %arg5[%get3A_40], %broadcast_in_dim3A_16 {add = true} : memref<10112xf32, #tpu.memory_space<vmem>>[vector<16xi32>], vector<16xf32>,
      %while3A_41 = arith.constant 0 : i32
      scf.yield %while3A_41 : i32
    }
    %while3A_34 = arith.constant 1 : i32
    %while3A_35 = scf.for %while3A_36 = %while3A_31 to %while3A_27 step %while3A_34 iter_args(%while3A_37 = %while3A_33) -> (i32)  : i32 {
      %mul3A_38 = arith.constant 16 : i32
      %mul3A_39 = arith.muli %while3A_36, %mul3A_38 : i32
      %get3A = arith.index_cast %mul3A_39 : i32 to index
      %get3A_40 = tpu.vector_load %arg4[%get3A] {strides = array<i32>} : memref<10112xi32, #tpu.memory_space<vmem>>, vector<16xi32>,
      tpu.vector_store_idx %arg5[%get3A_40], %broadcast_in_dim3A_16 {add = true} : memref<10112xf32, #tpu.memory_space<vmem>>[vector<16xi32>], vector<16xf32>,
      %while3A_41 = arith.constant 0 : i32
      scf.yield %while3A_41 : i32
    }
    "tpu.region"() ({
      %run_scoped3A_36 = tpu.sem_alloc : memref<!tpu.dma_semaphore, #tpu.memory_space<semaphore_mem>>
      %dma_start3A = arith.constant 0 : i32
      %dma_start3A_37 = tpu.memref_slice %arg3[%add3A, %dma_start3A] : memref<32x10112xf32, #tpu.memory_space<hbm>> -> memref<1x10112xf32, #tpu.memory_space<hbm>>
      %dma_start3A_38 = tpu.memref_squeeze %dma_start3A_37 : memref<1x10112xf32, #tpu.memory_space<hbm>> -> memref<10112xf32, #tpu.memory_space<hbm>>
      %dma_start3A_39 = arith.constant 0 : i32
      %dma_start3A_40 = tpu.memref_slice %arg3[%add3A, %dma_start3A_39] : memref<32x10112xf32, #tpu.memory_space<hbm>> -> memref<1x10112xf32, #tpu.memory_space<hbm>>
      %dma_start3A_41 = tpu.memref_squeeze %dma_start3A_40 : memref<1x10112xf32, #tpu.memory_space<hbm>> -> memref<10112xf32, #tpu.memory_space<hbm>>
      tpu.enqueue_dma source(%arg5 : memref<10112xf32, #tpu.memory_space<vmem>>) target(%dma_start3A_41 : memref<10112xf32, #tpu.memory_space<hbm>>) target_semaphore(%run_scoped3A_36 : memref<!tpu.dma_semaphore, #tpu.memory_space<semaphore_mem>>)
      %dma_wait3A = arith.constant 0 : i32
      %dma_wait3A_42 = tpu.memref_slice %arg3[%add3A, %dma_wait3A] : memref<32x10112xf32, #tpu.memory_space<hbm>> -> memref<1x10112xf32, #tpu.memory_space<hbm>>
      %dma_wait3A_43 = tpu.memref_squeeze %dma_wait3A_42 : memref<1x10112xf32, #tpu.memory_space<hbm>> -> memref<10112xf32, #tpu.memory_space<hbm>>
      %dma_wait3A_44 = arith.constant 0 : i32
      %dma_wait3A_45 = tpu.memref_slice %arg3[%add3A, %dma_wait3A_44] : memref<32x10112xf32, #tpu.memory_space<hbm>> -> memref<1x10112xf32, #tpu.memory_space<hbm>>
      %dma_wait3A_46 = tpu.memref_squeeze %dma_wait3A_45 : memref<1x10112xf32, #tpu.memory_space<hbm>> -> memref<10112xf32, #tpu.memory_space<hbm>>
      tpu.wait_dma2 semaphore(%run_scoped3A_36 : memref<!tpu.dma_semaphore, #tpu.memory_space<semaphore_mem>>) src(%arg5 : memref<10112xf32, #tpu.memory_space<vmem>>) dst(%dma_wait3A_46 : memref<10112xf32, #tpu.memory_space<hbm>>)
      tpu.yield
    }) : () -> ()
    return
  }
}

module attributes {stable_mosaic.version = 14 : i64} {
  func.func @_combine_body(%arg0: i32, %arg1: memref<2x1024x128xf32, #tpu.memory_space<vmem>>, %arg2: memref<1024x128xf32, #tpu.memory_space<vmem>>, %arg3: memref<32x1024xf32, #tpu.memory_space<vmem>>, %arg4: memref<1x128xf32, #tpu.memory_space<vmem>>, %arg5: memref<1024x128xf32, #tpu.memory_space<vmem>>) attributes {dimension_semantics = [#tpu.dimension_semantics<arbitrary>], iteration_bounds = array<i64: 10>, scalar_prefetch = 0 : i64, scratch_operands = 0 : i64, tpu.core_type = #tpu.core_type<tc>, window_params = [{transform_indices = @transform_0, window_bounds = array<i64: 2, 1024, 128>}, {transform_indices = @transform_1, window_bounds = array<i64: 1024, 128>}, {transform_indices = @transform_2, window_bounds = array<i64: 32, 1024>}, {pipeline_mode = #tpu.pipeline_mode<synchronous>, transform_indices = @transform_3, window_bounds = array<i64: 1, 128>}, {transform_indices = @transform_4, window_bounds = array<i64: 1024, 128>}]} {
    %get3A = arith.constant 0 : index
    %get3A_0 = arith.constant 0 : index
    %get3A_1 = vector.load %arg3[%get3A, %get3A_0] : memref<32x1024xf32, #tpu.memory_space<vmem>>, vector<32x1024xf32>
    %reduce_sum3A = arith.constant dense<0.000000e+00> : vector<1024xf32>
    %reduce_sum3A_2 = vector.multi_reduction <add>, %get3A_1, %reduce_sum3A [0] : vector<32x1024xf32> to vector<1024xf32>
    %add3A = arith.constant 1.000000e+00 : f32
    %add3A_3 = vector.broadcast %add3A : f32 to vector<1024xf32>
    %add3A_4 = arith.addf %reduce_sum3A_2, %add3A_3 : vector<1024xf32>
    %rsqrt3A = math.rsqrt %add3A_4 : vector<1024xf32>
    %get3A_5 = arith.constant 0 : index
    %get3A_6 = arith.constant 0 : index
    %get3A_7 = arith.constant 0 : index
    %get3A_8 = vector.load %arg1[%get3A_5, %get3A_6, %get3A_7] : memref<2x1024x128xf32, #tpu.memory_space<vmem>>, vector<1x1024x128xf32>
    %get3A_9 = vector.shape_cast %get3A_8 : vector<1x1024x128xf32> to vector<1024x128xf32>
    %get3A_10 = arith.constant 1 : index
    %get3A_11 = arith.constant 0 : index
    %get3A_12 = arith.constant 0 : index
    %get3A_13 = vector.load %arg1[%get3A_10, %get3A_11, %get3A_12] : memref<2x1024x128xf32, #tpu.memory_space<vmem>>, vector<1x1024x128xf32>
    %get3A_14 = vector.shape_cast %get3A_13 : vector<1x1024x128xf32> to vector<1024x128xf32>
    %add3A_15 = arith.addf %get3A_9, %get3A_14 : vector<1024x128xf32>
    %get3A_16 = arith.constant 0 : index
    %get3A_17 = arith.constant 0 : index
    %get3A_18 = vector.load %arg2[%get3A_16, %get3A_17] : memref<1024x128xf32, #tpu.memory_space<vmem>>, vector<1024x128xf32>
    %add3A_19 = arith.addf %add3A_15, %get3A_18 : vector<1024x128xf32>
    %broadcast_in_dim3A = vector.shape_cast %rsqrt3A : vector<1024xf32> to vector<1024x1xf32>
    %mul3A = vector.broadcast %broadcast_in_dim3A : vector<1024x1xf32> to vector<1024x128xf32>
    %mul3A_20 = arith.mulf %mul3A, %add3A_19 : vector<1024x128xf32>
    %get3A_21 = arith.constant 0 : index
    %get3A_22 = arith.constant 0 : index
    %get3A_23 = vector.load %arg4[%get3A_21, %get3A_22] : memref<1x128xf32, #tpu.memory_space<vmem>>, vector<1x128xf32>
    %add3A_24 = vector.broadcast %get3A_23 : vector<1x128xf32> to vector<1024x128xf32>
    %add3A_25 = arith.addf %mul3A_20, %add3A_24 : vector<1024x128xf32>
    %swap3A = arith.constant 0 : index
    %swap3A_26 = arith.constant 0 : index
    %swap3A_27 = vector.load %arg5[%swap3A, %swap3A_26] : memref<1024x128xf32, #tpu.memory_space<vmem>>, vector<1024x128xf32>
    tpu.vector_store %arg5[%swap3A, %swap3A_26], %add3A_25 {strides = array<i32>} : memref<1024x128xf32, #tpu.memory_space<vmem>>, vector<1024x128xf32>,
    return
  }
  func.func @transform_0(%arg0: i32) -> (i32, i32, i32) {
    %c0_i32 = arith.constant 0 : i32
    %c0_i32_0 = arith.constant 0 : i32
    %c0_i32_1 = arith.constant 0 : i32
    return %c0_i32, %arg0, %c0_i32_0 : i32, i32, i32
  }
  func.func @transform_1(%arg0: i32) -> (i32, i32) {
    %c0_i32 = arith.constant 0 : i32
    %c0_i32_0 = arith.constant 0 : i32
    return %arg0, %c0_i32 : i32, i32
  }
  func.func @transform_2(%arg0: i32) -> (i32, i32) {
    %c0_i32 = arith.constant 0 : i32
    %c0_i32_0 = arith.constant 0 : i32
    return %c0_i32, %arg0 : i32, i32
  }
  func.func @transform_3(%arg0: i32) -> (i32, i32) {
    %c0_i32 = arith.constant 0 : i32
    %c0_i32_0 = arith.constant 0 : i32
    %c0_i32_1 = arith.constant 0 : i32
    return %c0_i32, %c0_i32_0 : i32, i32
  }
  func.func @transform_4(%arg0: i32) -> (i32, i32) {
    %c0_i32 = arith.constant 0 : i32
    %c0_i32_0 = arith.constant 0 : i32
    return %arg0, %c0_i32 : i32, i32
  }
}

module attributes {stable_mosaic.version = 14 : i64} {
  func.func @_linear_body(%arg0: i32, %arg1: memref<1024x128xf32, #tpu.memory_space<vmem>>, %arg2: memref<128x128xf32, #tpu.memory_space<vmem>>, %arg3: memref<32x1024xf32, #tpu.memory_space<vmem>>, %arg4: memref<1024x128xf32, #tpu.memory_space<vmem>>) attributes {dimension_semantics = [#tpu.dimension_semantics<arbitrary>], iteration_bounds = array<i64: 10>, scalar_prefetch = 0 : i64, scratch_operands = 0 : i64, tpu.core_type = #tpu.core_type<tc>, window_params = [{transform_indices = @transform_0, window_bounds = array<i64: 1024, 128>}, {pipeline_mode = #tpu.pipeline_mode<synchronous>, transform_indices = @transform_1, window_bounds = array<i64: 128, 128>}, {transform_indices = @transform_2, window_bounds = array<i64: 32, 1024>}, {transform_indices = @transform_3, window_bounds = array<i64: 1024, 128>}]} {
    %get3A = arith.constant 0 : index
    %get3A_0 = arith.constant 0 : index
    %get3A_1 = vector.load %arg3[%get3A, %get3A_0] : memref<32x1024xf32, #tpu.memory_space<vmem>>, vector<32x1024xf32>
    %reduce_sum3A = arith.constant dense<0.000000e+00> : vector<1024xf32>
    %reduce_sum3A_2 = vector.multi_reduction <add>, %get3A_1, %reduce_sum3A [0] : vector<32x1024xf32> to vector<1024xf32>
    %add3A = arith.constant 1.000000e+00 : f32
    %add3A_3 = vector.broadcast %add3A : f32 to vector<1024xf32>
    %add3A_4 = arith.addf %reduce_sum3A_2, %add3A_3 : vector<1024xf32>
    %rsqrt3A = math.rsqrt %add3A_4 : vector<1024xf32>
    %get3A_5 = arith.constant 0 : index
    %get3A_6 = arith.constant 0 : index
    %get3A_7 = vector.load %arg1[%get3A_5, %get3A_6] : memref<1024x128xf32, #tpu.memory_space<vmem>>, vector<1024x128xf32>
    %get3A_8 = arith.constant 0 : index
    %get3A_9 = arith.constant 0 : index
    %get3A_10 = vector.load %arg2[%get3A_8, %get3A_9] : memref<128x128xf32, #tpu.memory_space<vmem>>, vector<128x128xf32>
    %dot_general3A = arith.constant dense<0.000000e+00> : vector<1024x128xf32>
    %dot_general3A_11 = tpu.matmul %get3A_7, %get3A_10, %dot_general3A {dimension_numbers = #tpu.dot_dimension_numbers<[1], [0], [0], [1], [0, 0, 1, 1], [], []>, transpose_lhs_hint = false} : vector<1024x128xf32>, vector<128x128xf32>, vector<1024x128xf32> -> vector<1024x128xf32>
    %broadcast_in_dim3A = vector.shape_cast %rsqrt3A : vector<1024xf32> to vector<1024x1xf32>
    %mul3A = vector.broadcast %broadcast_in_dim3A : vector<1024x1xf32> to vector<1024x128xf32>
    %mul3A_12 = arith.mulf %mul3A, %dot_general3A_11 : vector<1024x128xf32>
    %swap3A = arith.constant 0 : index
    %swap3A_13 = arith.constant 0 : index
    %swap3A_14 = vector.load %arg4[%swap3A, %swap3A_13] : memref<1024x128xf32, #tpu.memory_space<vmem>>, vector<1024x128xf32>
    tpu.vector_store %arg4[%swap3A, %swap3A_13], %mul3A_12 {strides = array<i32>} : memref<1024x128xf32, #tpu.memory_space<vmem>>, vector<1024x128xf32>,
    return
  }
  func.func @transform_0(%arg0: i32) -> (i32, i32) {
    %c0_i32 = arith.constant 0 : i32
    %c0_i32_0 = arith.constant 0 : i32
    return %arg0, %c0_i32 : i32, i32
  }
  func.func @transform_1(%arg0: i32) -> (i32, i32) {
    %c0_i32 = arith.constant 0 : i32
    %c0_i32_0 = arith.constant 0 : i32
    %c0_i32_1 = arith.constant 0 : i32
    return %c0_i32, %c0_i32_0 : i32, i32
  }
  func.func @transform_2(%arg0: i32) -> (i32, i32) {
    %c0_i32 = arith.constant 0 : i32
    %c0_i32_0 = arith.constant 0 : i32
    return %c0_i32, %arg0 : i32, i32
  }
  func.func @transform_3(%arg0: i32) -> (i32, i32) {
    %c0_i32 = arith.constant 0 : i32
    %c0_i32_0 = arith.constant 0 : i32
    return %arg0, %c0_i32 : i32, i32
  }
}

</mosaic_0001>

<sc_bundles>
// kernel: kernel.6.cloned.1.call-start
scs
__scs_entry_jumppad:
0x0: {  	(pc) =	sbr.rel $0x88, $3  }
0x1: {  	(tag) =	ssettag $0x0;
	lr =	simm.s32 $0x1  }
0x2: {  	[smem:$0x3F9D] =	sst lr;
	_ =	strace $0xD0000000  }
0x3: {  	_ = 	snop  }
0x4: {  	_ = 	snop  }
0x5: {  	_ = 	snop  }
0x6: {  	_ = 	snop  }
0x7: {  	_ = 	snop  }
__scs_overlays_trampoline_lowered:
0x8: {  	[smem:$0x3FAC] =	sst s0  }
0x9: {  	[smem:$0x3FAD] =	sst s1  }
0xa: {  	[smem:$0x3FAE] =	sst s2  }
0xb: {  	[smem:$0x3FAF] =	sst s3  }
0xc: {  	[smem:$0x3FB0] =	sst s4  }
0xd: {  	[smem:$0x3FB1] =	sst s5  }
0xe: {  	[smem:$0x3FB2] =	sst s6  }
0xf: {  	[smem:$0x3FB3] =	sst s7  }
0x10: {  	[smem:$0x3FB4] =	sst s8  }
0x11: {  	[smem:$0x3FB5] =	sst s9;
	s0 =	simm.s32 @!p0 $0x0  }
0x12: {  	s1 =	sld [smem:$0x3F9B];
	s0 =	simm.s32 @p0 $0x1  }
0x13: {  	[smem:$0x3FB6] =	sst s0;
	s0 =	simm.s32 @!p1 $0x0  }
0x14: {  	s2 =	sld [smem:$0x3F9A];
	s0 =	simm.s32 @p1 $0x1  }
0x15: {  	[smem:$0x3FB7] =	sst s0;
	s0 =	simm.s32 @!p2 $0x0  }
0x16: {  	s3 =	sld [smem:$0x3FDB];
	s0 =	simm.s32 @p2 $0x1  }
0x17: {  	s4 =	simm.s32 $0x1BF5;
	[smem:$0x3FB9] =	sst s0  }
0x18: {  	s0 =	sld [smem:$0x3F9C];
	_ =	swait.ge [sflag:s4], $0x0  }
0x19: {  	s7 =	sld [smem:$0x3F9D]  }
0x1a: {  	s8 =	sadd.s32 $0xFFFFE003, lr  }
0x1b: {  	s9 =	sadd.s32 $0xFFFFFEF7, lr;
	s5 =	simm.s32 $0xFFFFFFFF;
	p2 =	slt.u32 s8, $0xFFFFF086  }
0x1c: {  	p1 =	slt.u32 s9, $0xF7A;
	s5 =	simm.s32 @!p2 $0x0  }
0x1d: {  	s5 =	simm.s32 @p1 $0x1;
	p0 =	seq.s32 s7, s2  }
0x1e: {  	s7 =	smul.u32 @!p0 $0xF7A, s2;
	p2 =	seq.s32 @!p0 s5, $0x0  }
0x1f: {  	s9 =	smul.u32 $0xF7A, s1;
	s8 =	simm.s32 @!p0 $0x1BF5;
	p2 =	por !p2, p0  }
0x20: {  	[sflag:s8] =	ssyncset.s32 @!p0 $0xFFFFF086;
	s6 =	sadd.s32 @!p0 s3, s7;
	s7 =	simm.s32 @!p0 $0x108  }
0x21: {  	s3 =	sadd.s32 s3, s9;
	s6 =	sadd.s32 @!p0 $0x88, s6;
	s7 =	simm.s32 @p2 $0x1082  }
0x22: {  	[simem:s7], [sflag:s8] =	dma.local @!p0 [hbm:s6], $0xF7A  }
0x23: {  	s9 =	sor.u32 $0xD0000000, s2;
	s6 =	simm.s32 $0x108;
	_ =	swait.ge @!p0 [sflag:s8], $0x0  }
0x24: {  	s3 =	sadd.s32 $0x88, s3;
	s6 =	simm.s32 @!p1 $0x1082;
	[sflag:s4] =	ssyncset.s32 $0xFFFFF086  }
0x25: {  	[simem:s6], [sflag:s4] =	dma.local [hbm:s3], $0xF7A  }
0x26: {  	[smem:$0x3F9D] =	sst s1;
	(tag) =	ssettag s2;
	_ =	strace s9  }
0x27: {  	s1 =	sld [smem:$0x3FAD]  }
0x28: {  	s2 =	sld [smem:$0x3FAE]  }
0x29: {  	s4 =	sld [smem:$0x3FB0]  }
0x2a: {  	p0 =	seq.s32 s5, $0x0;
	s5 =	sld [smem:$0x3FB1]  }
0x2b: {  	s6 =	sld [smem:$0x3FB2]  }
0x2c: {  	s7 =	sld [smem:$0x3FB3]  }
0x2d: {  	s3 =	simm.s32 $0x108;
	s8 =	sld [smem:$0x3FB4]  }
0x2e: {  	s3 =	simm.s32 @!p0 $0x1082;
	s9 =	sld [smem:$0x3FB5]  }
0x2f: {  	lr =	sadd.s32 s0, s3;
	s0 =	sld [smem:$0x3FAC]  }
0x30: {  	s3 =	sld [smem:$0x3FAF]  }
0x31: {  	[smem:$0x3FB8] =	sst s10  }
0x32: {  	s10 =	sld [smem:$0x3FB6];
	_ =	sdelay $0x3  }
0x33: {  	p0 =	seq.s32 s10, $0x1;
	s10 =	sld [smem:$0x3FB8];
	_ =	sdelay $0x3  }
0x34: {  	[smem:$0x3FB8] =	sst s10  }
0x35: {  	s10 =	sld [smem:$0x3FB7];
	_ =	sdelay $0x3  }
0x36: {  	p1 =	seq.s32 s10, $0x1;
	s10 =	sld [smem:$0x3FB8];
	_ =	sdelay $0x3  }
0x37: {  	[smem:$0x3FB8] =	sst s10  }
0x38: {  	s10 =	sld [smem:$0x3FB9]  }
0x39: {  	_ = 	snop;
	(pc) =	sbr.ind lr, $3  }
0x3a: {  	_ = 	snop  }
0x3b: {  	_ = 	snop  }
0x3c: {  	p2 =	seq.s32 s10, $0x1;
	s10 =	sld [smem:$0x3FB8]  }
0x3d: {  	_ =	shalt  }
0x3e: {  	_ =	shalt  }
0x3f: {  	_ =	shalt  }
0x40: {  	_ =	shalt  }
0x41: {  	_ =	shalt  }
0x42: {  	_ =	shalt  }
0x43: {  	_ =	shalt  }
0x44: {  	_ =	shalt  }
0x45: {  	_ =	shalt  }
0x46: {  	_ =	shalt  }
0x47: {  	_ =	shalt  }
0x48: {  	_ =	shalt  }
0x49: {  	_ =	shalt  }
0x4a: {  	_ =	shalt  }
0x4b: {  	_ =	shalt  }
0x4c: {  	_ =	shalt  }
0x4d: {  	_ =	shalt  }
0x4e: {  	_ =	shalt  }
0x4f: {  	_ =	shalt  }
0x50: {  	_ =	shalt  }
0x51: {  	_ =	shalt  }
0x52: {  	_ =	shalt  }
0x53: {  	_ =	shalt  }
0x54: {  	_ =	shalt  }
0x55: {  	_ =	shalt  }
0x56: {  	_ =	shalt  }
0x57: {  	_ =	shalt  }
0x58: {  	_ =	shalt  }
0x59: {  	_ =	shalt  }
0x5a: {  	_ =	shalt  }
0x5b: {  	_ =	shalt  }
0x5c: {  	_ =	shalt  }
0x5d: {  	_ =	shalt  }
0x5e: {  	_ =	shalt  }
0x5f: {  	_ =	shalt  }
0x60: {  	_ =	shalt  }
0x61: {  	_ =	shalt  }
0x62: {  	_ =	shalt  }
0x63: {  	_ =	shalt  }
0x64: {  	_ =	shalt  }
0x65: {  	_ =	shalt  }
0x66: {  	_ =	shalt  }
0x67: {  	_ =	shalt  }
0x68: {  	_ =	shalt  }
0x69: {  	_ =	shalt  }
0x6a: {  	_ =	shalt  }
0x6b: {  	_ =	shalt  }
0x6c: {  	_ =	shalt  }
0x6d: {  	_ =	shalt  }
0x6e: {  	_ =	shalt  }
0x6f: {  	_ =	shalt  }
0x70: {  	_ =	shalt  }
0x71: {  	_ =	shalt  }
0x72: {  	_ =	shalt  }
0x73: {  	_ =	shalt  }
0x74: {  	_ =	shalt  }
0x75: {  	_ =	shalt  }
0x76: {  	_ =	shalt  }
0x77: {  	_ =	shalt  }
0x78: {  	_ =	shalt  }
0x79: {  	_ =	shalt  }
0x7a: {  	_ =	shalt  }
0x7b: {  	_ =	shalt  }
0x7c: {  	_ =	shalt  }
0x7d: {  	_ =	shalt  }
0x7e: {  	_ =	shalt  }
0x7f: {  	_ =	shalt  }
0x80: {  	_ =	shalt  }
0x81: {  	_ =	shalt  }
0x82: {  	_ =	shalt  }
0x83: {  	_ =	shalt  }
0x84: {  	_ =	shalt  }
0x85: {  	_ =	shalt  }
0x86: {  	_ =	shalt  }
0x87: {  	_ =	shalt  }
.Lfunc_end0:
.L_simem_size_0:
called_computation_lowered:
.L_overlay_start_0:
0x88: {  	s2 =	sld [smem:$0x3FD9]  }
0x89: {  	s3 =	sld [smem:$0x3FFE];
	_ =	sdelay $0x1  }
0x8a: {  	s1 =	srdreg.scid  }
0x8b: {  	s0 =	sand.u32 $0x1, s1  }
0x8c: {  	s18 =	sshll.u32 s0, $0xA;
	s2 =	sadd.s32 s3, s2  }
0x8d: {  	s2 =	sadd.s32 s2, s18  }
0x8e: {  	[smem:$0x3FC4] =	sst s2  }
0x8f: {  	_ = 	snop  }
0x90: {  	s2 =	sld [smem:$0x3FC8]  }
0x91: {  	s19 =	sld [smem:$0x3FD0];
	(tm) =	ssettm $0x1  }
0x92: {  	s4 =	sld [smem:$0x3FFB];
	_ =	sdelay $0x3  }
0x93: {  	_ =	strace s4  }
0x94: {  	s4 =	sld [smem:$0x3FFC];
	_ =	sdelay $0x3  }
0x95: {  	_ =	strace s4  }
0x96: {  	s4 =	sld [smem:$0x3FFD];
	_ =	sdelay $0x3  }
0x97: {  	_ =	strace s4  }
0x98: {  	_ =	strace $0x8FFFFFFF  }
0x99: {  	s20 =	sld [smem:$0x3FDB];
	_ =	sdelay $0x1  }
0x9a: {  	s5 =	simm.s32 $_scs_section_size  }
0x9b: {  	s6 =	simm.s32 $_size__tile_overlayer_lowered;
	s7 =	simm.s32 $_tile_overlayer_lowered  }
0x9c: {  	s23 =	simm.s32 $0x1BFF;
	s22 =	sshll.u32 s7, $0x1;
	s4 =	sadd.s32 s5, s20  }
0x9d: {  	s8 =	simm.s32 $0x0;
	s21 =	sshll.u32 s6, $0x1;
	s6 =	sadd.s32 s22, s4  }
0x9e: {  	[timem:s8], [sflag:s23] =	dma.local [hbm:s6], s21  }
0x9f: {  	_ =	swait.ge [sflag:s23], s21  }
0xa0: {  	s5 =	ssub.s32 $0x0, s21;
	[sflag:s23] =	ssyncset.done $0x0  }
0xa1: {  	[sflag:s23] =	ssyncadd.s32 s5;
	_ =	sdelay $0x1  }
0xa2: {  	s24 =	simm.s32 $0x1B8B  }
0xa3: {  	_ =	swait.ge [sflag:s24], $0x1  }
0xa4: {  	[sflag:s24] =	ssyncset.done $0x0  }
0xa5: {  	s25 =	simm.s32 $0x1B8E;
	[sflag:s24] =	ssyncadd.s32 $0xFFFFFFFF  }
0xa6: {  	s26 =	simm.s32 $execute0_lowered;
	[smem:$0x3FD2] =	sst s25  }
0xa7: {  	s5 =	sshll.u32 s26, $0x1;
	_ =	strace $0x80000046;
	[dreg:$0x1] =	wrdreg $0xFFFFFFFF  }
0xa8: {  	s28 =	simm.s32 $_size_execute0_lowered;
	s4 =	sadd.s32 s4, s5;
	[dreg:$0x0] =	wrdreg $0x0  }
0xa9: {  	s5 =	sshll.u32 s28, $0x1;
	[dreg:$0x2] =	wrdreg s4  }
0xaa: {  	[dreg:$0x3] =	wrdreg s5  }
0xab: {  	[dreg:$0x4] =	wrdreg $0xC0  }
0xac: {  	_ =	task [dreg:s8], $0x5FFFF  }
0xad: {  	[dreg:$0x1] =	wrdreg $0xFFFFFFFF  }
0xae: {  	[dreg:$0x0] =	wrdreg $0x60  }
0xaf: {  	[dreg:$0x2] =	wrdreg s2  }
0xb0: {  	[dreg:$0x3] =	wrdreg s19  }
0xb1: {  	[dreg:$0x4] =	wrdreg $0x9  }
0xb2: {  	_ =	task.clear_ibuf [dreg:s8], $0x5FFFF;
	_ =	strace $0x90000046  }
0xb3: {  	s29 =	simm.s32 $0x9;
	_ =	strace $0x80000048  }
0xb4: {  	_ =	swait.ge [sflag:s29], $0x1  }
0xb5: {  	[sflag:s29] =	ssyncadd.s32 $0xFFFFFFFF  }
0xb6: {  	_ =	strace $0x90000048  }
0xb7: {  	_ =	sfence  }
0xb8: {  	s30 =	sld [smem:$0x0];
	_ =	sdelay $0x2  }
0xb9: {  	s31 =	sshll.u32 s1, $0xD;
	s1 =	sshrl.u32 s1, $0x2  }
0xba: {  	s3 =	sand.u32 $0x4000, s31;
	s1 =	sadd.s32 s1, s30  }
0xbb: {  	s0 =	sor.u32 s3, s0;
	s1 =	sshll.u32 s1, $0x11  }
0xbc: {  	s0 =	sor.u32 s1, s0  }
0xbd: {  	s0 =	sadd.s32 $0x8F2B, s0  }
0xbe: {  	[sflag:s0] =	ssyncadd.remote.s32 $0x1  }
0xbf: {  	_ =	sfence.sel $0xFFFF  }
0xc0: {  	[dreg:$0x0] =	wrdreg $0xFFFFFFFF;
	(pc) =	sbr.abs _section_cstart, $3  }
0xc1: {  	[dreg:$0x1] =	wrdreg $0xFFFFFFFF  }
0xc2: {  	_ =	task.clear_ibuf [dreg:s8], $0x2FFFF;
	_ =	strace $0x9FFFFFFF  }
0xc3: {  	(tm) =	ssettm $0x7FFFFFFF  }
tec
execute0_lowered:
.L_overlay_start_1:
0x0: {  	(tag) =	ssettag $0x1  }
0x1: {  	s3 =	rddreg [dreg:$0x0]  }
0x2: {  	s1 =	srdreg.scid;
	s0 =	stileid.u32  }
0x3: {  	s6 =	rddreg [dreg:$0x1];
	s2 =	simm.s32 $0x0;
	s10 =	simm.s32 $0x1  }
0x4: {  	s11 =	simm.s32 $0x2780;
	s12 =	simm.s32 $0x400;
	s13 =	simm.s32 $0x0  }
0x5: {  	s4 =	sand.u32 $0x1, s1;
	s5 =	sshll.u32 s0, $0x1;
	s1 =	rddreg [dreg:$0x2]  }
0x6: {  	[smem:$0x7FF] =	sst s2;
	s30 =	sshrl.u32 s0, $0x2;
	s5 =	sor.u32 s4, s5  }
0x7: {  	p0 =	slt.u32 s0, $0x2;
	s4 =	ssub.s32 $0x2, s4;
	s7 =	smul.u32 $0x4E, s5  }
0x8: {  	_ =	strace $0x80000047;
	s8 =	sshrl.u32 s4, $0x1;
	s9 =	smin.u32 s5, $0x4  }
0x9: {  	s5 =	sshll.u32 s5, $0x7;
	s8 =	ssub.s32 s4, s8;
	s29 =	sadd.s32 s9, s7  }
0xa: {  	s5 =	sand.u32 $0x380, s5;
	s7 =	smul.u32 $0x13C00, s30;
	s4 =	sshll.u32 s29, $0x5  }
0xb: {  	s9 =	simm.s32 $0x100;
	s31 =	sadd.s32 s4, s3;
	s4 =	simm.s32 $0x278  }
0xc: {  	s7 =	sor.u32 s7, s5;
	s3 =	sadd.s32 $0x10, s31;
	s5 =	sadd.s32 $0x9D0, s31  }
0xd: {  	s4 =	simm.s32 @!p0 $0x270;
	s7 =	sshrl.u32 s7, $0x3;
	p0 =	sgt.u32 s0, $0x1  }
0xe: {  	v0 =	vimm.f32 $0.0e+00;
	v1 =	vimm.f32 $1.000000000e+00;
	s6 =	sadd.s32 s6, s7;
	s7 =	smax.u32 s8, $0x1;
	s8 =	simm.s32 $0x80  }
.LBB2_1:
0xf: {  	[tilespmem:s2], [sflag:$0x1] =	stream.strided.gather [hbm4b:s3+s8], $0x2700, s9, s8, $0x38;
	[tilespmem:$0x4F00] =	vst v63  }
0x10: {  	_ =	swait.ge [sflag:s10], $0x2700  }
0x11: {  	[sflag:s10] =	ssyncset.done $0x0  }
0x12: {  	s14 =	simm.s32 @!p0 $0x0;
	s15 =	simm.s32 @!p0 $0x2700;
	[sflag:s10] =	ssyncadd.s32 $0xFFFFD900  }
0x13: {  	[tilespmem:s15], [sflag:$0x1] =	stream.linear.gather @!p0 [hbm4b:s5+s14], $0x80, $0x38;
	[tilespmem:$0x4F00] =	vst v63  }
0x14: {  	s14 =	simm.s32 @!p0 $0x1  }
0x15: {  	_ =	swait.ge @!p0 [sflag:s14], $0x80  }
0x16: {  	[sflag:s14] =	ssyncset.done @!p0 $0x0  }
0x17: {  	[sflag:s14] =	ssyncadd.s32 @!p0 $0xFFFFFF80;
	s14 =	simm.s32 $0x0  }
.LBB2_2:
0x18: {  	p1 =	sne.s32 s14, $0x9DC0  }
.Ltmp0:
0x19: {  	_ = 	snop;
	(pc) =	sbr.rel @p1 .LBB2_2-.Ltmp0, $3  }
0x1a: {  	_ =	sdelay $0x1  }
0x1b: {  	s15 =	sshra.s32 s14, $0x2  }
0x1c: {  	s14 =	sadd.s32 $0x40, s14;
	[tilespmem:s15+$0x2780] =	vst v0  }
0x1d: {  	p1 =	sne.s32 s4, $0x1  }
.Ltmp1:
0x1e: {  	_ = 	snop;
	(pc) =	sbr.rel @!p1 .LBB2_5-.Ltmp1, $3  }
0x1f: {  	_ =	sdelay $0x1  }
0x20: {  	s14 =	simm.s32 $0x0  }
0x21: {  	s15 =	sadd.s32 $0xFFFFFFFF, s4;
	v2 =	vld [tilespmem:s14+$0x0]  }
.LBB2_4:
0x22: {  	p1 =	sne.s32 s15, $0x1;
	_ =	sdelay $0x3  }
.Ltmp2:
0x23: {  	(pc) =	sbr.rel @p1 .LBB2_4-.Ltmp2, $3  }
0x24: {  	_ =	sdelay $0x1  }
0x25: {  	s14 =	sadd.s32 $0x10, s14;
	[tilespmem:v2+s11+$0x0] =	vst.idx.add.f32.msk $0xffff, v1  }
0x26: {  	s15 =	sadd.s32 $0xFFFFFFFF, s15;
	v2 =	vld [tilespmem:s14+$0x0]  }
.LBB2_5:
0x27: {  	_ =	sdelay $0x5  }
0x28: {  	s13 =	sadd.s32 $0x1, s13  }
0x29: {  	p1 =	sne.s32 s13, s7  }
.Ltmp3:
0x2a: {  	[tilespmem:v2+s11+$0x0] =	vst.idx.add.f32.msk $0xffff, v1;
	(pc) =	sbr.rel @p1 .LBB2_1-.Ltmp3, $4  }
0x2b: {  	[hbm4b:s6+s8] =	stream.strided.scatter [tilespmem:s11], [sflag:$0x1], $0x2780, s12, s8, $0x38;
	[tilespmem:$0x4F00] =	vst v63  }
0x2c: {  	_ =	swait.ge [sflag:s10], $0x2780  }
0x2d: {  	[sflag:s10] =	ssyncset.done $0x0  }
0x2e: {  	[sflag:s10] =	ssyncadd.s32 $0xFFFFD880  }
0x2f: {  	_ =	sfence.sel $0x180000  }
0x30: {  	[bflag:$0x0] =	sbarrier.arrive $0xFFFF  }
0x31: {  	p0 =	sne.s32 s0, $0x0;
	_ =	strace $0x90000047  }
0x32: {  	s0 =	sadd.s32 @!p0 $0x100000, s1;
	[bflag:$0x2] =	sbarrier.arrive $0xFFFF  }
0x33: {  	[sflag:s0] =	ssyncadd.tile.s32 @!p0 $0x1;
	_ =	shalt  }
.Lfunc_end2:
_tile_overlayer_lowered:
.L_overlay_start_2:
0x34: {  	(tag) =	ssettag $0x2  }
0x35: {  	s0 =	rddreg [dreg:$0x0];
	s2 =	stileid.u32  }
0x36: {  	s1 =	rddreg [dreg:$0x1];
	p0 =	sne.s32 s2, $0x0  }
0x37: {  	s3 =	rddreg [dreg:$0x2];
	[bflag:$0x3] =	sbarrier.arrive $0xFFFF;
	s2 =	simm.s32 @!p0 $0x1C01  }
0x38: {  	[timem:s3], [sflag:s2] =	dma.local @!p0 [hbm:s0], s1  }
0x39: {  	s0 =	simm.s32 @!p0 $0x1  }
0x3a: {  	_ =	swait.ge @!p0 [sflag:s0], s1  }
0x3b: {  	s1 =	ssub.s32 @!p0 $0x0, s1;
	[sflag:s0] =	ssyncset.done @!p0 $0x0  }
0x3c: {  	[sflag:s0] =	ssyncadd.s32 @!p0 s1  }
0x3d: {  	[bflag:$0x3] =	sbarrier.arrive $0xFFFF  }
0x3e: {  	_ =	shalt  }

// kernel: kernel.9.cloned.1.call-start
scs
__scs_entry_jumppad:
0x0: {  	(pc) =	sbr.rel $0x88, $3  }
0x1: {  	(tag) =	ssettag $0x0;
	lr =	simm.s32 $0x1  }
0x2: {  	[smem:$0x3F9D] =	sst lr;
	_ =	strace $0xD0000000  }
0x3: {  	_ = 	snop  }
0x4: {  	_ = 	snop  }
0x5: {  	_ = 	snop  }
0x6: {  	_ = 	snop  }
0x7: {  	_ = 	snop  }
__scs_overlays_trampoline_lowered:
0x8: {  	[smem:$0x3FAC] =	sst s0  }
0x9: {  	[smem:$0x3FAD] =	sst s1  }
0xa: {  	[smem:$0x3FAE] =	sst s2  }
0xb: {  	[smem:$0x3FAF] =	sst s3  }
0xc: {  	[smem:$0x3FB0] =	sst s4  }
0xd: {  	[smem:$0x3FB1] =	sst s5  }
0xe: {  	[smem:$0x3FB2] =	sst s6  }
0xf: {  	[smem:$0x3FB3] =	sst s7  }
0x10: {  	[smem:$0x3FB4] =	sst s8  }
0x11: {  	[smem:$0x3FB5] =	sst s9;
	s0 =	simm.s32 @!p0 $0x0  }
0x12: {  	s1 =	sld [smem:$0x3F9B];
	s0 =	simm.s32 @p0 $0x1  }
0x13: {  	[smem:$0x3FB6] =	sst s0;
	s0 =	simm.s32 @!p1 $0x0  }
0x14: {  	s2 =	sld [smem:$0x3F9A];
	s0 =	simm.s32 @p1 $0x1  }
0x15: {  	[smem:$0x3FB7] =	sst s0;
	s0 =	simm.s32 @!p2 $0x0  }
0x16: {  	s3 =	sld [smem:$0x3FDB];
	s0 =	simm.s32 @p2 $0x1  }
0x17: {  	s4 =	simm.s32 $0x1BF5;
	[smem:$0x3FB9] =	sst s0  }
0x18: {  	s0 =	sld [smem:$0x3F9C];
	_ =	swait.ge [sflag:s4], $0x0  }
0x19: {  	s7 =	sld [smem:$0x3F9D]  }
0x1a: {  	s8 =	sadd.s32 $0xFFFFE003, lr  }
0x1b: {  	s9 =	sadd.s32 $0xFFFFFEF7, lr;
	s5 =	simm.s32 $0xFFFFFFFF;
	p2 =	slt.u32 s8, $0xFFFFF086  }
0x1c: {  	p1 =	slt.u32 s9, $0xF7A;
	s5 =	simm.s32 @!p2 $0x0  }
0x1d: {  	s5 =	simm.s32 @p1 $0x1;
	p0 =	seq.s32 s7, s2  }
0x1e: {  	s7 =	smul.u32 @!p0 $0xF7A, s2;
	p2 =	seq.s32 @!p0 s5, $0x0  }
0x1f: {  	s9 =	smul.u32 $0xF7A, s1;
	s8 =	simm.s32 @!p0 $0x1BF5;
	p2 =	por !p2, p0  }
0x20: {  	[sflag:s8] =	ssyncset.s32 @!p0 $0xFFFFF086;
	s6 =	sadd.s32 @!p0 s3, s7;
	s7 =	simm.s32 @!p0 $0x108  }
0x21: {  	s3 =	sadd.s32 s3, s9;
	s6 =	sadd.s32 @!p0 $0x88, s6;
	s7 =	simm.s32 @p2 $0x1082  }
0x22: {  	[simem:s7], [sflag:s8] =	dma.local @!p0 [hbm:s6], $0xF7A  }
0x23: {  	s9 =	sor.u32 $0xD0000000, s2;
	s6 =	simm.s32 $0x108;
	_ =	swait.ge @!p0 [sflag:s8], $0x0  }
0x24: {  	s3 =	sadd.s32 $0x88, s3;
	s6 =	simm.s32 @!p1 $0x1082;
	[sflag:s4] =	ssyncset.s32 $0xFFFFF086  }
0x25: {  	[simem:s6], [sflag:s4] =	dma.local [hbm:s3], $0xF7A  }
0x26: {  	[smem:$0x3F9D] =	sst s1;
	(tag) =	ssettag s2;
	_ =	strace s9  }
0x27: {  	s1 =	sld [smem:$0x3FAD]  }
0x28: {  	s2 =	sld [smem:$0x3FAE]  }
0x29: {  	s4 =	sld [smem:$0x3FB0]  }
0x2a: {  	p0 =	seq.s32 s5, $0x0;
	s5 =	sld [smem:$0x3FB1]  }
0x2b: {  	s6 =	sld [smem:$0x3FB2]  }
0x2c: {  	s7 =	sld [smem:$0x3FB3]  }
0x2d: {  	s3 =	simm.s32 $0x108;
	s8 =	sld [smem:$0x3FB4]  }
0x2e: {  	s3 =	simm.s32 @!p0 $0x1082;
	s9 =	sld [smem:$0x3FB5]  }
0x2f: {  	lr =	sadd.s32 s0, s3;
	s0 =	sld [smem:$0x3FAC]  }
0x30: {  	s3 =	sld [smem:$0x3FAF]  }
0x31: {  	[smem:$0x3FB8] =	sst s10  }
0x32: {  	s10 =	sld [smem:$0x3FB6];
	_ =	sdelay $0x3  }
0x33: {  	p0 =	seq.s32 s10, $0x1;
	s10 =	sld [smem:$0x3FB8];
	_ =	sdelay $0x3  }
0x34: {  	[smem:$0x3FB8] =	sst s10  }
0x35: {  	s10 =	sld [smem:$0x3FB7];
	_ =	sdelay $0x3  }
0x36: {  	p1 =	seq.s32 s10, $0x1;
	s10 =	sld [smem:$0x3FB8];
	_ =	sdelay $0x3  }
0x37: {  	[smem:$0x3FB8] =	sst s10  }
0x38: {  	s10 =	sld [smem:$0x3FB9]  }
0x39: {  	_ = 	snop;
	(pc) =	sbr.ind lr, $3  }
0x3a: {  	_ = 	snop  }
0x3b: {  	_ = 	snop  }
0x3c: {  	p2 =	seq.s32 s10, $0x1;
	s10 =	sld [smem:$0x3FB8]  }
0x3d: {  	_ =	shalt  }
0x3e: {  	_ =	shalt  }
0x3f: {  	_ =	shalt  }
0x40: {  	_ =	shalt  }
0x41: {  	_ =	shalt  }
0x42: {  	_ =	shalt  }
0x43: {  	_ =	shalt  }
0x44: {  	_ =	shalt  }
0x45: {  	_ =	shalt  }
0x46: {  	_ =	shalt  }
0x47: {  	_ =	shalt  }
0x48: {  	_ =	shalt  }
0x49: {  	_ =	shalt  }
0x4a: {  	_ =	shalt  }
0x4b: {  	_ =	shalt  }
0x4c: {  	_ =	shalt  }
0x4d: {  	_ =	shalt  }
0x4e: {  	_ =	shalt  }
0x4f: {  	_ =	shalt  }
0x50: {  	_ =	shalt  }
0x51: {  	_ =	shalt  }
0x52: {  	_ =	shalt  }
0x53: {  	_ =	shalt  }
0x54: {  	_ =	shalt  }
0x55: {  	_ =	shalt  }
0x56: {  	_ =	shalt  }
0x57: {  	_ =	shalt  }
0x58: {  	_ =	shalt  }
0x59: {  	_ =	shalt  }
0x5a: {  	_ =	shalt  }
0x5b: {  	_ =	shalt  }
0x5c: {  	_ =	shalt  }
0x5d: {  	_ =	shalt  }
0x5e: {  	_ =	shalt  }
0x5f: {  	_ =	shalt  }
0x60: {  	_ =	shalt  }
0x61: {  	_ =	shalt  }
0x62: {  	_ =	shalt  }
0x63: {  	_ =	shalt  }
0x64: {  	_ =	shalt  }
0x65: {  	_ =	shalt  }
0x66: {  	_ =	shalt  }
0x67: {  	_ =	shalt  }
0x68: {  	_ =	shalt  }
0x69: {  	_ =	shalt  }
0x6a: {  	_ =	shalt  }
0x6b: {  	_ =	shalt  }
0x6c: {  	_ =	shalt  }
0x6d: {  	_ =	shalt  }
0x6e: {  	_ =	shalt  }
0x6f: {  	_ =	shalt  }
0x70: {  	_ =	shalt  }
0x71: {  	_ =	shalt  }
0x72: {  	_ =	shalt  }
0x73: {  	_ =	shalt  }
0x74: {  	_ =	shalt  }
0x75: {  	_ =	shalt  }
0x76: {  	_ =	shalt  }
0x77: {  	_ =	shalt  }
0x78: {  	_ =	shalt  }
0x79: {  	_ =	shalt  }
0x7a: {  	_ =	shalt  }
0x7b: {  	_ =	shalt  }
0x7c: {  	_ =	shalt  }
0x7d: {  	_ =	shalt  }
0x7e: {  	_ =	shalt  }
0x7f: {  	_ =	shalt  }
0x80: {  	_ =	shalt  }
0x81: {  	_ =	shalt  }
0x82: {  	_ =	shalt  }
0x83: {  	_ =	shalt  }
0x84: {  	_ =	shalt  }
0x85: {  	_ =	shalt  }
0x86: {  	_ =	shalt  }
0x87: {  	_ =	shalt  }
.Lfunc_end0:
.L_simem_size_0:
called_computation.1_lowered:
.L_overlay_start_0:
0x88: {  	s2 =	sld [smem:$0x3FD9]  }
0x89: {  	s3 =	sld [smem:$0x3FFE];
	_ =	sdelay $0x1  }
0x8a: {  	s1 =	srdreg.scid  }
0x8b: {  	s0 =	sand.u32 $0x1, s1  }
0x8c: {  	s17 =	sshll.u32 s0, $0xA;
	s2 =	sadd.s32 s3, s2  }
0x8d: {  	s2 =	sadd.s32 s2, s17  }
0x8e: {  	[smem:$0x3FC4] =	sst s2  }
0x8f: {  	_ = 	snop  }
0x90: {  	s2 =	sld [smem:$0x3FC8]  }
0x91: {  	s18 =	sld [smem:$0x3FD0];
	(tm) =	ssettm $0x1  }
0x92: {  	s4 =	sld [smem:$0x3FFB];
	_ =	sdelay $0x3  }
0x93: {  	_ =	strace s4  }
0x94: {  	s4 =	sld [smem:$0x3FFC];
	_ =	sdelay $0x3  }
0x95: {  	_ =	strace s4  }
0x96: {  	s4 =	sld [smem:$0x3FFD];
	_ =	sdelay $0x3  }
0x97: {  	_ =	strace s4  }
0x98: {  	_ =	strace $0x8FFFFFFF  }
0x99: {  	s19 =	sld [smem:$0x3FDB];
	_ =	sdelay $0x1  }
0x9a: {  	s5 =	simm.s32 $_scs_section_size  }
0x9b: {  	s6 =	simm.s32 $_size__tile_overlayer_lowered;
	s7 =	simm.s32 $_tile_overlayer_lowered  }
0x9c: {  	s22 =	simm.s32 $0x1BFF;
	s21 =	sshll.u32 s7, $0x1;
	s4 =	sadd.s32 s5, s19  }
0x9d: {  	s8 =	simm.s32 $0x0;
	s20 =	sshll.u32 s6, $0x1;
	s6 =	sadd.s32 s21, s4  }
0x9e: {  	[timem:s8], [sflag:s22] =	dma.local [hbm:s6], s20  }
0x9f: {  	_ =	swait.ge [sflag:s22], s20  }
0xa0: {  	s5 =	ssub.s32 $0x0, s20;
	[sflag:s22] =	ssyncset.done $0x0  }
0xa1: {  	[sflag:s22] =	ssyncadd.s32 s5;
	_ =	sdelay $0x1  }
0xa2: {  	s23 =	simm.s32 $0x1B8B  }
0xa3: {  	_ =	swait.ge [sflag:s23], $0x1  }
0xa4: {  	[sflag:s23] =	ssyncset.done $0x0  }
0xa5: {  	s25 =	simm.s32 $0x1B8E;
	s24 =	sld [smem:$0x3FFE];
	[sflag:s23] =	ssyncadd.s32 $0xFFFFFFFF  }
0xa6: {  	s26 =	simm.s32 $execute0_lowered;
	[smem:$0x3FD2] =	sst s25  }
0xa7: {  	s6 =	sshll.u32 s26, $0x1;
	_ =	strace $0x80000049;
	[dreg:$0x1] =	wrdreg $0xFFFFFFFF  }
0xa8: {  	s28 =	simm.s32 $_size_execute0_lowered;
	s4 =	sadd.s32 s4, s6;
	[dreg:$0x0] =	wrdreg $0x0  }
0xa9: {  	s6 =	sshll.u32 s28, $0x1;
	[dreg:$0x2] =	wrdreg s4  }
0xaa: {  	[dreg:$0x3] =	wrdreg s6  }
0xab: {  	[dreg:$0x4] =	wrdreg $0xC0  }
0xac: {  	_ =	task [dreg:s8], $0x5FFFF  }
0xad: {  	[dreg:$0x1] =	wrdreg $0xFFFFFFFF  }
0xae: {  	[dreg:$0x0] =	wrdreg $0x60  }
0xaf: {  	[dreg:$0x2] =	wrdreg s18  }
0xb0: {  	[dreg:$0x3] =	wrdreg s2  }
0xb1: {  	[dreg:$0x4] =	wrdreg s24  }
0xb2: {  	[dreg:$0x5] =	wrdreg $0xC4000  }
0xb3: {  	[dreg:$0x6] =	wrdreg $0x9  }
0xb4: {  	_ =	task.clear_ibuf [dreg:s8], $0x7FFFF;
	_ =	strace $0x90000049  }
0xb5: {  	s29 =	simm.s32 $0x9;
	_ =	strace $0x8000004B  }
0xb6: {  	_ =	swait.ge [sflag:s29], $0x1  }
0xb7: {  	[sflag:s29] =	ssyncadd.s32 $0xFFFFFFFF  }
0xb8: {  	_ =	strace $0x9000004B  }
0xb9: {  	_ =	sfence  }
0xba: {  	s30 =	sld [smem:$0x0];
	_ =	sdelay $0x2  }
0xbb: {  	s31 =	sshll.u32 s1, $0xD;
	s1 =	sshrl.u32 s1, $0x2  }
0xbc: {  	s3 =	sand.u32 $0x4000, s31;
	s1 =	sadd.s32 s1, s30  }
0xbd: {  	s0 =	sor.u32 s3, s0;
	s1 =	sshll.u32 s1, $0x11  }
0xbe: {  	s0 =	sor.u32 s1, s0  }
0xbf: {  	s0 =	sadd.s32 $0x8F2B, s0  }
0xc0: {  	[sflag:s0] =	ssyncadd.remote.s32 $0x1  }
0xc1: {  	_ =	sfence.sel $0xFFFF  }
0xc2: {  	[dreg:$0x0] =	wrdreg $0xFFFFFFFF;
	(pc) =	sbr.abs _section_cstart, $3  }
0xc3: {  	[dreg:$0x1] =	wrdreg $0xFFFFFFFF  }
0xc4: {  	_ =	task.clear_ibuf [dreg:s8], $0x2FFFF;
	_ =	strace $0x9FFFFFFF  }
0xc5: {  	(tm) =	ssettm $0x7FFFFFFF  }
tec
execute0_lowered:
.L_overlay_start_1:
0x0: {  	(tag) =	ssettag $0x1  }
0x1: {  	s0 =	rddreg [dreg:$0x0]  }
0x2: {  	s1 =	rddreg [dreg:$0x1];
	s2 =	srdreg.scid  }
0x3: {  	s5 =	rddreg [dreg:$0x2];
	s10 =	stileid.u32  }
0x4: {  	s3 =	rddreg [dreg:$0x3];
	s7 =	smul.u32 $0x13C00, s10  }
0x5: {  	s4 =	simm.s32 $0x0;
	s28 =	simm.s32 $0x0;
	s18 =	smul.u32 $0x4E, s10  }
0x6: {  	s2 =	sand.u32 $0x1, s2;
	[smem:$0x7FF] =	sst s4;
	s9 =	smul.u32 $0x4F000, s10  }
0x7: {  	s8 =	smin.u32 s10, $0x4;
	p1 =	slt.u32 s10, $0x4;
	s22 =	smul.u32 $0x4E00, s10  }
0x8: {  	s6 =	smul.u32 $0x13C000, s2;
	p0 =	seq.s32 s2, $0x0;
	s2 =	ssub.s32 $0x2, s2  }
0x9: {  	_ =	strace $0x8000004A;
	s8 =	simm.s32 @!p0 $0x4E4;
	s19 =	sshrl.u32 s2, $0x1  }
0xa: {  	s20 =	sshrl.u32 s9, $0x2;
	s6 =	sadd.s32 s7, s6;
	s7 =	sadd.s32 s18, s8  }
0xb: {  	s2 =	ssub.s32 s2, s19;
	s9 =	sadd.s32 s20, s3;
	s8 =	sshll.u32 s8, $0x8  }
0xc: {  	s19 =	simm.s32 $0x4;
	s6 =	sshrl.u32 s6, $0x3;
	s24 =	sadd.s32 $0x4000, s9  }
0xd: {  	s7 =	sshll.u32 s7, $0x5;
	s25 =	sadd.s32 $0x8000, s9;
	[dreg:$0x8] =	wrdreg s24  }
0xe: {  	s26 =	sadd.s32 $0xC000, s9;
	s29 =	sadd.s32 $0x10000, s9;
	[dreg:$0x9] =	wrdreg s25  }
0xf: {  	s16 =	smax.u32 s2, $0x1;
	s15 =	sadd.s32 s6, s5;
	[dreg:$0xa] =	wrdreg s26  }
0x10: {  	s5 =	simm.s32 $0x4F;
	s6 =	sadd.s32 s1, s7;
	[dreg:$0xb] =	wrdreg s29  }
0x11: {  	s24 =	simm.s32 $0x8400;
	s25 =	simm.s32 $0x2;
	s26 =	simm.s32 $0x3  }
0x12: {  	s5 =	simm.s32 @!p1 $0x4E;
	s7 =	sadd.s32 $0x10, s6;
	s21 =	sadd.s32 $0x20, s6  }
0x13: {  	s23 =	sadd.s32 $0x30, s6;
	s31 =	sadd.s32 $0x1600, s15;
	[dreg:$0x5] =	wrdreg s7  }
0x14: {  	s5 =	simm.s32 @!p0 $0x4E;
	[dreg:$0x6] =	wrdreg s21;
	s7 =	sadd.s32 s8, s22  }
0x15: {  	[dreg:$0x7] =	wrdreg s23;
	s30 =	sadd.s32 $0x280, s7;
	s7 =	sadd.s32 $0x200, s7  }
0x16: {  	[dreg:$0xc] =	wrdreg s31;
	s8 =	sshrl.u32 s30, $0x3;
	s7 =	sshrl.u32 s7, $0x3  }
0x17: {  	v0 =	vimm.f32 $0.0e+00;
	s21 =	simm.s32 $0x80;
	s17 =	sadd.s32 s8, s1;
	s18 =	sadd.s32 s7, s1  }
.LBB2_1:
0x18: {  	[tilespmem:s4], [sflag:$0x4] =	stream.linear.gather [hbm4b:s6+s4], $0x80, $0x38;
	v63 =	vld [tilespmem:$0x0]  }
0x19: {  	_ =	swait.ge [sflag:s19], $0x80  }
0x1a: {  	[sflag:s19] =	ssyncset.done $0x0  }
0x1b: {  	s2 =	simm.s32 $0x200;
	s1 =	rddreg [dreg:$0x5];
	[sflag:s19] =	ssyncadd.s32 $0xFFFFFF80  }
0x1c: {  	[tilespmem:s2], [sflag:$0x4] =	stream.linear.gather [hbm4b:s1+s4], $0x80, $0x38;
	v63 =	vld [tilespmem:$0x0]  }
0x1d: {  	_ =	swait.ge [sflag:s19], $0x80  }
0x1e: {  	s20 =	simm.s32 $0x400;
	s30 =	sand.u32 $0xFE00, s4;
	[sflag:s19] =	ssyncset.done $0x0  }
0x1f: {  	s31 =	sand.u32 $0x70, s4;
	s7 =	sshrl.u32 s30, $0x2;
	[sflag:s19] =	ssyncadd.s32 $0xFFFFFF80  }
0x20: {  	[tilespmem:s20], [sflag:$0x2] =	stream.indirect.gather [hbm4b:s0+s21], $0x80, s4, s21, $0xb8;
	v63 =	vld [tilespmem:$0x0]  }
0x21: {  	s29 =	simm.s32 $0x280;
	s7 =	sor.u32 s31, s7;
	s22 =	rddreg [dreg:$0x6]  }
0x22: {  	[tilespmem:s21], [sflag:$0x1] =	stream.linear.gather [hbm4b:s22+s4], $0x80, $0x38;
	v63 =	vld [tilespmem:$0x0]  }
0x23: {  	s1 =	simm.s32 $0x40;
	s2 =	simm.s32 $0x0;
	s23 =	rddreg [dreg:$0x7]  }
0x24: {  	[tilespmem:s29], [sflag:$0x1] =	stream.linear.gather [hbm4b:s23+s4], $0x80, $0x38;
	v63 =	vld [tilespmem:$0x0]  }
.LBB2_2:
0x25: {  	p0 =	sne.s32 s1, $0xFFC0  }
0x26: {  	[tilespmem:s7+$0x8400] =	vst v0;
	s2 =	sadd.s32 $0x10, s2;
	s7 =	smov.u32 s1;
	s1 =	sadd.s32 $0x40, s1  }
.Ltmp0:
0x27: {  	(pc) =	sbr.rel @p0 .LBB2_2-.Ltmp0, $4  }
0x28: {  	_ = 	snop  }
0x29: {  	s7 =	sand.u32 $0xFE00, s7  }
0x2a: {  	s8 =	sand.u32 $0x70, s2;
	s7 =	sshrl.u32 s7, $0x2  }
0x2b: {  	s7 =	sor.u32 s8, s7  }
0x2c: {  	[tilespmem:s7+$0x8400] =	vst v0  }
0x2d: {  	[spmem:s9] =	stream.linear.scatter [tilespmem:s24], [sflag:$0x4], $0x4000, $0x38;
	v63 =	vld [tilespmem:$0x0]  }
0x2e: {  	_ =	swait.ge [sflag:s19], $0x4000  }
0x2f: {  	[sflag:s19] =	ssyncset.done $0x0  }
0x30: {  	s1 =	rddreg [dreg:$0x8];
	[sflag:s19] =	ssyncadd.s32 $0xFFFFC000  }
0x31: {  	[spmem:s1] =	stream.linear.scatter [tilespmem:s24], [sflag:$0x4], $0x4000, $0x38;
	v63 =	vld [tilespmem:$0x0]  }
0x32: {  	_ =	swait.ge [sflag:s19], $0x4000  }
0x33: {  	[sflag:s19] =	ssyncset.done $0x0  }
0x34: {  	s8 =	rddreg [dreg:$0x9];
	[sflag:s19] =	ssyncadd.s32 $0xFFFFC000  }
0x35: {  	[spmem:s8] =	stream.linear.scatter [tilespmem:s24], [sflag:$0x4], $0x4000, $0x38;
	v63 =	vld [tilespmem:$0x0]  }
0x36: {  	_ =	swait.ge [sflag:s19], $0x4000  }
0x37: {  	[sflag:s19] =	ssyncset.done $0x0  }
0x38: {  	s10 =	rddreg [dreg:$0xa];
	[sflag:s19] =	ssyncadd.s32 $0xFFFFC000  }
0x39: {  	[spmem:s10] =	stream.linear.scatter [tilespmem:s24], [sflag:$0x4], $0x4000, $0x38;
	v63 =	vld [tilespmem:$0x0]  }
0x3a: {  	_ =	swait.ge [sflag:s19], $0x4000  }
0x3b: {  	[sflag:s19] =	ssyncset.done $0x0  }
0x3c: {  	s11 =	rddreg [dreg:$0xb];
	[sflag:s19] =	ssyncadd.s32 $0xFFFFC000  }
0x3d: {  	[spmem:s11] =	stream.linear.scatter [tilespmem:s24], [sflag:$0x4], $0x3C00, $0x38;
	v63 =	vld [tilespmem:$0x0]  }
0x3e: {  	_ =	swait.ge [sflag:s19], $0x3C00  }
0x3f: {  	p2 =	por $0x1, $0x1;
	[sflag:s19] =	ssyncset.done $0x0  }
0x40: {  	s12 =	simm.s32 $0x0;
	s13 =	simm.s32 $0x1;
	[sflag:s19] =	ssyncadd.s32 $0xFFFFC400  }
0x41: {  	s30 =	simm.s32 $0x400;
	s2 =	simm.s32 @!p2 $0x3;
	[bflag:$0x0] =	sbarrier.arrive $0xFFFF  }
0x42: {  	s29 =	simm.s32 $0x1;
	p0 =	sne.s32 s5, $0x1;
	_ =	swait.ge @!p2 [sflag:s2], $0x4000  }
0x43: {  	p1 =	sle.u32 s5, $0x1;
	s31 =	simm.s32 $0x4400;
	[sflag:s2] =	ssyncset.done @!p2 $0x0  }
0x44: {  	s1 =	smulhi.u32 $0xAAAAAAAB, s13;
	s8 =	simm.s32 @!p1 $0x1;
	[sflag:s2] =	ssyncadd.s32 @!p2 $0xFFFFC000  }
0x45: {  	s20 =	simm.s32 @!p1 $0x80;
	s23 =	simm.s32 @!p1 $0x80;
	_ =	swait.ge @!p1 [sflag:s8], $0x80  }
0x46: {  	s14 =	smulhi.u32 $0xAAAAAAAB, s12;
	s1 =	sshrl.u32 s1, $0x1;
	[sflag:s8] =	ssyncset.done @!p1 $0x0  }
0x47: {  	s7 =	sand.u32 $0x180, s12;
	s22 =	smul.u32 $0xFFFD0000, s1;
	[sflag:s8] =	ssyncadd.s32 @!p1 $0xFFFFFF80  }
0x48: {  	s20 =	sand.u32 @!p1 $0x180, s20;
	s7 =	sor.u32 $0x200, s7;
	_ =	swait.ge @!p1 [sflag:s8], $0x80  }
0x49: {  	s22 =	sshra.s32 s22, $0x2;
	p2 =	sle.u32 s5, $0x2;
	[sflag:s8] =	ssyncset.done @!p1 $0x0  }
0x4a: {  	s22 =	sadd.s32 $0x4400, s22;
	[sflag:s8] =	ssyncadd.s32 @!p1 $0xFFFFFF80;
	s8 =	simm.s32 @!p2 $0x100  }
0x4b: {  	[tilespmem:s22], [sflag:$0x2] =	stream.indirect.gather @!p1 [hbm4b:s0+s23], $0x80, s20, s23, $0xb8;
	v63 =	vld [tilespmem:$0x0]  }
0x4c: {  	s1 =	simm.s32 $0x8400;
	s8 =	sand.u32 @!p2 $0x180, s8;
	s23 =	simm.s32 @!p2 $0x0  }
0x4d: {  	[tilespmem:s8], [sflag:$0x1] =	stream.linear.gather @!p2 [hbm4b:s18+s23], $0x80, $0x38;
	v63 =	vld [tilespmem:$0x0]  }
.Ltmp1:
0x4e: {  	s22 =	sshrl.u32 s14, $0x1;
	s8 =	sor.u32 @!p2 $0x200, s8;
	(pc) =	sbr.rel @!p0 .LBB2_5-.Ltmp1, $4  }
0x4f: {  	[tilespmem:s8], [sflag:$0x1] =	stream.linear.gather @!p2 [hbm4b:s17+s23], $0x80, $0x38;
	v63 =	vld [tilespmem:$0x0]  }
0x50: {  	s2 =	simm.s32 $0x2;
	s15 =	smul.u32 $0xFFFD0000, s22;
	_ =	swait.ge [sflag:s25], $0x4000  }
0x51: {  	s20 =	sadd.s32 $0x20, s18;
	s22 =	sadd.s32 $0x20, s17;
	[sflag:s25] =	ssyncset.done $0x0  }
0x52: {  	s23 =	simm.s32 $0x80;
	s8 =	sshra.s32 s15, $0x2;
	[sflag:s25] =	ssyncadd.s32 $0xFFFFC000  }
.LBB2_4:
0x53: {  	p2 =	slt.u32 s29, $0x2;
	s8 =	sadd.s32 s8, s30;
	s10 =	smov.u32 s29  }
0x54: {  	s29 =	sadd.s32 $0x1, s29;
	s30 =	smov.u32 s31;
	s11 =	smov.u32 s1  }
0x55: {  	[spmem:s3] =	stream.indirect.scatter.add.f32 [tilespmem:s8], [sflag:$0x3], $0x80, s7, s21, $0xb8;
	v63 =	vld [tilespmem:$0x0]  }
0x56: {  	s7 =	simm.s32 @!p2 $0x3;
	s8 =	sadd.s32 $0x1, s29;
	p0 =	sne.s32 s29, s5  }
0x57: {  	s12 =	smov.u32 s20;
	_ =	swait.ge @!p2 [sflag:s7], $0x4000  }
0x58: {  	s31 =	sadd.s32 $0x4000, s31;
	p1 =	sge.u32 s29, s5;
	[sflag:s7] =	ssyncset.done @!p2 $0x0  }
0x59: {  	s13 =	smulhi.u32 $0xAAAAAAAB, s2;
	[sflag:s7] =	ssyncadd.s32 @!p2 $0xFFFFC000;
	s7 =	simm.s32 @!p1 $0x1  }
0x5a: {  	s2 =	sadd.s32 $0x1, s2;
	s14 =	sadd.s32 @!p1 $0x80, s23;
	_ =	swait.ge @!p1 [sflag:s7], $0x80  }
0x5b: {  	s13 =	sshrl.u32 s13, $0x1;
	s14 =	sand.u32 @!p1 $0x180, s14;
	[sflag:s7] =	ssyncset.done @!p1 $0x0  }
0x5c: {  	s1 =	sadd.s32 $0x4000, s1;
	s13 =	smul.u32 $0xFFFD0000, s13;
	[sflag:s7] =	ssyncadd.s32 @!p1 $0xFFFFFF80  }
0x5d: {  	s20 =	sadd.s32 $0x20, s20;
	s15 =	simm.s32 @!p1 $0x80;
	_ =	swait.ge @!p1 [sflag:s7], $0x80  }
0x5e: {  	s13 =	sshra.s32 s13, $0x2;
	p2 =	sge.u32 s8, s5;
	[sflag:s7] =	ssyncset.done @!p1 $0x0  }
0x5f: {  	s8 =	sadd.s32 s13, s11;
	[sflag:s7] =	ssyncadd.s32 @!p1 $0xFFFFFF80;
	s7 =	sadd.s32 @!p2 $0x100, s23  }
0x60: {  	[tilespmem:s8], [sflag:$0x2] =	stream.indirect.gather @!p1 [hbm4b:s0+s15], $0x80, s14, s15, $0xb8;
	v63 =	vld [tilespmem:$0x0]  }
0x61: {  	s8 =	smulhi.u32 $0xAAAAAAAB, s10;
	s7 =	sand.u32 @!p2 $0x180, s7;
	s10 =	simm.s32 @!p2 $0x0  }
0x62: {  	[tilespmem:s7], [sflag:$0x1] =	stream.linear.gather @!p2 [hbm4b:s12+s10], $0x80, $0x38;
	v63 =	vld [tilespmem:$0x0]  }
.Ltmp2:
0x63: {  	s8 =	sshrl.u32 s8, $0x1;
	s7 =	sor.u32 @!p2 $0x200, s7;
	(pc) =	sbr.rel @p0 .LBB2_4-.Ltmp2, $4  }
0x64: {  	[tilespmem:s7], [sflag:$0x1] =	stream.linear.gather @!p2 [hbm4b:s22+s10], $0x80, $0x38;
	v63 =	vld [tilespmem:$0x0]  }
0x65: {  	s7 =	smul.u32 $0xFFFD0000, s8;
	s22 =	sadd.s32 $0x20, s22;
	_ =	swait.ge [sflag:s25], $0x4000  }
0x66: {  	s10 =	sand.u32 $0x180, s23;
	s23 =	sadd.s32 $0x80, s23;
	[sflag:s25] =	ssyncset.done $0x0  }
0x67: {  	s8 =	sshra.s32 s7, $0x2;
	s7 =	sor.u32 $0x200, s10;
	[sflag:s25] =	ssyncadd.s32 $0xFFFFC000  }
.LBB2_5:
0x68: {  	s1 =	sadd.s32 s8, s30  }
0x69: {  	[spmem:s3] =	stream.indirect.scatter.add.f32 [tilespmem:s1], [sflag:$0x3], $0x80, s7, s21, $0xb8;
	v63 =	vld [tilespmem:$0x0]  }
0x6a: {  	_ =	swait.ge [sflag:s26], $0x4000  }
0x6b: {  	[sflag:s26] =	ssyncset.done $0x0  }
0x6c: {  	[sflag:s26] =	ssyncadd.s32 $0xFFFFC000  }
0x6d: {  	_ =	swait.ge [sflag:s26], $0x4000  }
0x6e: {  	s30 =	stileid.u32;
	[sflag:s26] =	ssyncset.done $0x0  }
0x6f: {  	s2 =	sshrl.u32 s9, $0x3;
	s28 =	sadd.s32 $0x1, s28;
	[sflag:s26] =	ssyncadd.s32 $0xFFFFC000  }
0x70: {  	s1 =	sshll.u32 s30, $0x6;
	p0 =	sne.s32 s28, s16;
	[bflag:$0x0] =	sbarrier.arrive $0xFFFF  }
.Ltmp3:
0x71: {  	s1 =	sadd.s32 $0x1C04, s1;
	s31 =	rddreg [dreg:$0xc];
	(pc) =	sbr.rel @p0 .LBB2_1-.Ltmp3, $4  }
0x72: {  	[hbm:s31], [sflag:s1] =	dma.local [spmem:s2], $0x2780  }
0x73: {  	_ =	swait.ge [sflag:s19], $0x2780  }
0x74: {  	[sflag:s19] =	ssyncset.done $0x0  }
0x75: {  	[sflag:s19] =	ssyncadd.s32 $0xFFFFD880  }
0x76: {  	_ =	sfence.sel $0x180000  }
0x77: {  	[bflag:$0x0] =	sbarrier.arrive $0xFFFF  }
0x78: {  	_ =	strace $0x9000004A  }
0x79: {  	s0 =	stileid.u32;
	[bflag:$0x2] =	sbarrier.arrive $0xFFFF  }
0x7a: {  	p0 =	sne.s32 s0, $0x0;
	s0 =	rddreg [dreg:$0x4]  }
0x7b: {  	s0 =	sadd.s32 @!p0 $0x100000, s0  }
0x7c: {  	[sflag:s0] =	ssyncadd.tile.s32 @!p0 $0x1;
	_ =	shalt  }
.Lfunc_end2:
_tile_overlayer_lowered:
.L_overlay_start_2:
0x7d: {  	(tag) =	ssettag $0x2  }
0x7e: {  	s0 =	rddreg [dreg:$0x0];
	s2 =	stileid.u32  }
0x7f: {  	s1 =	rddreg [dreg:$0x1];
	p0 =	sne.s32 s2, $0x0  }
0x80: {  	s3 =	rddreg [dreg:$0x2];
	[bflag:$0x3] =	sbarrier.arrive $0xFFFF;
	s2 =	simm.s32 @!p0 $0x1C04  }
0x81: {  	[timem:s3], [sflag:s2] =	dma.local @!p0 [hbm:s0], s1  }
0x82: {  	s0 =	simm.s32 @!p0 $0x4  }
0x83: {  	_ =	swait.ge @!p0 [sflag:s0], s1  }
0x84: {  	s1 =	ssub.s32 @!p0 $0x0, s1;
	[sflag:s0] =	ssyncset.done @!p0 $0x0  }
0x85: {  	[sflag:s0] =	ssyncadd.s32 @!p0 s1  }
0x86: {  	[bflag:$0x3] =	sbarrier.arrive $0xFFFF  }
0x87: {  	_ =	shalt  }

</sc_bundles>
